<compile_context>
chip_gen: v7x
topology: tpu7x:2x2x1
jax: 0.10.2.dev20260603
libtpu: 0.0.44.dev20260713+nightly
codegen_flags: <defaults>
</compile_context>

<pallas_src>
import functools

import jax
import jax.numpy as jnp
from jax import lax
from jax.experimental import pallas as pl
from jax.experimental.pallas import tpu as pltpu
from jax.experimental.pallas import tpu_sc as plsc

_E = 16
_B = 32
_DIN = 2048
_HW = 256
_D = 8192
_N = 64
_NC = 16
_DBLK = _D // _NC


def _phase1_kernel(x_ref, wrt_ref, br_ref, wnt_ref, bn_ref, eps_ref,
                   noisy_ref, z_ref, mh_ref):
    i = pl.program_id(0)

    x = x_ref[0]
    mh_ref[pl.ds(i, 1), :] = jnp.sum(x, axis=0)[None, :] * (1.0 / _HW)

    @pl.when(i == _B - 1)
    def _route():
        mh = mh_ref[...]
        dn = (((1,), (1,)), ((), ()))
        lin_r = lax.dot_general(mh, wrt_ref[...], dn,
                                preferred_element_type=jnp.float32) + br_ref[...]
        p = jax.nn.softmax(lin_r, axis=1)
        lin_n = lax.dot_general(mh, wnt_ref[...], dn,
                                preferred_element_type=jnp.float32) + bn_ref[...]
        s = eps_ref[...] * jax.nn.softplus(lin_n)
        q = jax.nn.softmax(s, axis=1)
        noisy = p + q
        noisy_ref[...] = noisy
        zl = jnp.log(jnp.sum(jnp.exp(noisy), axis=1, keepdims=True))
        z_ref[0, 0] = jnp.sum(zl * zl) * (1.0 / _B)


def _sc_route_body(noisy_hbm, bins_hbm, row_v, out_v):
    wid = lax.axis_index("s") * 2 + lax.axis_index("c")
    pltpu.sync_copy(noisy_hbm.at[wid], row_v)
    r = row_v[...]
    iota = lax.broadcasted_iota(jnp.int32, (_E,), 0)
    m1 = jnp.max(r)
    i1 = jnp.min(jnp.where(r == m1, iota, _E))
    rest = jnp.where(iota == i1, -1e30, r)
    m2 = jnp.max(rest)
    i2 = jnp.min(jnp.where(rest == m2, iota, _E))
    dv = jnp.full((_E,), m2 - m1, jnp.float32)
    t = jnp.exp(dv)
    w1 = 1.0 / (1.0 + t)
    w2 = 1.0 - w1
    out_v[...] = (jnp.where(iota == i1, w1, 0.0)
                  + jnp.where(iota == i2, w2, 0.0))
    pltpu.sync_copy(out_v, bins_hbm.at[wid])


def _combine_kernel(bins_ref, at_ref, combt_ref, w_ref):
    i = pl.program_id(0)

    @pl.when(i == 0)
    def _weights():
        binsum = jnp.sum(bins_ref[...], axis=0, keepdims=True) * (1.0 / _B)
        iota_r = lax.broadcasted_iota(jnp.int32, (1, _E), 1)
        for e in range(_E):
            w_ref[0, e] = jnp.sum(jnp.where(iota_r == e, binsum, 0.0))

    acc = w_ref[0, 0] * at_ref[0]
    for e in range(1, _E):
        acc = acc + w_ref[0, e] * at_ref[e]
    combt_ref[...] = acc


@functools.partial(jax.jit, static_argnums=())
def kernel(inputs, W_route, b_route, W_noise, b_noise, A_logs, noise_eps):
    x4 = jnp.transpose(inputs, (0, 2, 3, 1)).reshape(_B, _HW, _DIN)
    wrt = W_route.T
    wnt = W_noise.T
    at = jnp.transpose(A_logs, (0, 2, 1))
    br = b_route.reshape(1, _E)
    bn = b_noise.reshape(1, _E)

    noisy, z = pl.pallas_call(
        _phase1_kernel,
        grid=(_B,),
        in_specs=[
            pl.BlockSpec((1, _HW, _DIN), lambda i: (i, 0, 0)),
            pl.BlockSpec((_E, _DIN), lambda i: (0, 0)),
            pl.BlockSpec((1, _E), lambda i: (0, 0)),
            pl.BlockSpec((_E, _DIN), lambda i: (0, 0)),
            pl.BlockSpec((1, _E), lambda i: (0, 0)),
            pl.BlockSpec((_B, _E), lambda i: (0, 0)),
        ],
        out_specs=[
            pl.BlockSpec((_B, _E), lambda i: (0, 0)),
            pl.BlockSpec(memory_space=pltpu.SMEM),
        ],
        out_shape=[
            jax.ShapeDtypeStruct((_B, _E), jnp.float32),
            jax.ShapeDtypeStruct((1, 1), jnp.float32),
        ],
        scratch_shapes=[
            pltpu.VMEM((_B, _DIN), jnp.float32),
        ],
    )(x4, wrt, br, wnt, bn, noise_eps)

    sc_route = functools.partial(
        pl.kernel,
        out_type=jax.ShapeDtypeStruct((_B, _E), jnp.float32),
        mesh=plsc.VectorSubcoreMesh(core_axis_name="c", subcore_axis_name="s"),
        scratch_types=[
            pltpu.VMEM((_E,), jnp.float32),
            pltpu.VMEM((_E,), jnp.float32),
        ],
        compiler_params=pltpu.CompilerParams(needs_layout_passes=False),
    )(_sc_route_body)
    bins = sc_route(noisy)

    combt = pl.pallas_call(
        _combine_kernel,
        grid=(_NC,),
        in_specs=[
            pl.BlockSpec((_B, _E), lambda i: (0, 0)),
            pl.BlockSpec((_E, _N, _DBLK), lambda i: (0, 0, i)),
        ],
        out_specs=pl.BlockSpec((_N, _DBLK), lambda i: (0, i)),
        out_shape=jax.ShapeDtypeStruct((_N, _D), jnp.float32),
        scratch_shapes=[
            pltpu.SMEM((1, _E), jnp.float32),
        ],
    )(bins, at)

    combined = combt.T
    z_loss = z.reshape(())
    return (combined, z_loss)

# --- scband reference (transcript-rebuilt; emitter-appended) ---
"""Pipeline reference for scband-mo-esystem-15659450761990 (READ-ONLY COPY).

The authoritative reference and input builder live on the scoring server;
editing this copy changes nothing except your own understanding.
"""

import jax, jax.numpy as jnp
import numpy as np

NUM_EXPERTS = 16
TOP_K = 2
D_STATE = 64
INPUT_DIM = 2048
COPIES = 4


def setup_inputs(seed: int = 0) -> dict:
    key = jax.random.key(seed)
    ks = jax.random.split(key, 6)
    B, H, W = 32, 16, 16
    inputs = jax.random.normal(ks[0], (B, INPUT_DIM, H, W), dtype=jnp.float32)
    W_route = jax.random.normal(ks[1], (INPUT_DIM, NUM_EXPERTS), dtype=jnp.float32) * 0.02
    b_route = jnp.zeros((NUM_EXPERTS,), jnp.float32)
    W_noise = jax.random.normal(ks[2], (INPUT_DIM, NUM_EXPERTS), dtype=jnp.float32) * 0.02
    b_noise = jnp.zeros((NUM_EXPERTS,), jnp.float32)
    # A_log init: log(arange(1, d_state+1)) repeated over d_inner, then copies merged
    A = jnp.tile(jnp.arange(1, D_STATE + 1, dtype=jnp.float32)[None, :], (INPUT_DIM, 1))
    A_log = jnp.log(A)
    A_log = jnp.tile(A_log[None, :, :], (COPIES, 1, 1)).reshape(COPIES * INPUT_DIM, D_STATE)
    A_logs = jnp.tile(A_log[None, :, :], (NUM_EXPERTS, 1, 1))  # [E, d, n] stacked ParameterList
    noise_eps = jax.random.normal(ks[3], (B, NUM_EXPERTS), dtype=jnp.float32)  # randn_like noise
    return {"inputs": inputs, "W_route": W_route, "b_route": b_route,
            "W_noise": W_noise, "b_noise": b_noise, "A_logs": A_logs,
            "noise_eps": noise_eps}


def reference(inputs, W_route, b_route, W_noise, b_noise, A_logs, noise_eps):
    # NoisyTopkRouter
    mh = inputs.mean(axis=(2, 3))  # [B, input_dim]
    logits = jax.nn.softmax(mh @ W_route + b_route, axis=-1)
    noise_logits = mh @ W_noise + b_noise
    noise = jax.nn.softmax(noise_eps * jax.nn.softplus(noise_logits), axis=-1)
    noisy_logits = logits + noise
    top_k_logits, indices = jax.lax.top_k(noisy_logits, TOP_K)
    router_output = jax.nn.softmax(top_k_logits, axis=-1)  # [B, top_k]
    # A_logs_MoEProjectionLayer: gather selected expert params -> [B, top_k, d, n]
    expert_outputs = jnp.take(A_logs, indices, axis=0)
    # combine
    combined = jnp.einsum('bnik,bn->bik', expert_outputs, router_output).mean(axis=0)
    # z-loss on noisy logits
    B = noisy_logits.shape[0]
    z_loss = (1.0 / B) * jnp.sum(jnp.log(jnp.sum(jnp.exp(noisy_logits), axis=-1)) ** 2)
    return (combined, z_loss)

if __name__ == "__main__":
    import jax
    _d = setup_inputs()
    print(jax.jit(kernel)(*tuple(_d.values())))

</pallas_src>

<mosaic_0001>
#map = affine_map<(d0, d1) -> (0, 0)>
module attributes {stable_mosaic.version = 14 : i64} {
  func.func @_sc_route_body(%arg0: i32, %arg1: i32, %arg2: memref<32x16xf32, #tpu.memory_space<hbm>>, %arg3: memref<32x16xf32, #tpu.memory_space<hbm>>, %arg4: memref<16xf32, #tpu.memory_space<vmem>>, %arg5: memref<16xf32, #tpu.memory_space<vmem>>) attributes {dimension_semantics = [#tpu.dimension_semantics<core_parallel>, #tpu.dimension_semantics<subcore_parallel>], iteration_bounds = array<i64: 2, 16>, scalar_prefetch = 0 : i64, scratch_operands = 2 : i64, tpu.core_type = #tpu.core_type<sc_vector_subcore>, window_params = [{transform_indices = #map}, {transform_indices = #map}]} {
    %mul3A = arith.constant 2 : i32
    %mul3A_0 = arith.muli %arg1, %mul3A : i32
    %add3A = arith.addi %mul3A_0, %arg0 : i32
    "tpu.region"() ({
      %run_scoped3A = tpu.sem_alloc : memref<!tpu.dma_semaphore, #tpu.memory_space<semaphore_mem>>
      %dma_start3A = arith.constant 0 : i32
      %dma_start3A_56 = tpu.memref_slice %arg2[%add3A, %dma_start3A] : memref<32x16xf32, #tpu.memory_space<hbm>> -> memref<1x16xf32, #tpu.memory_space<hbm>>
      %dma_start3A_57 = tpu.memref_squeeze %dma_start3A_56 : memref<1x16xf32, #tpu.memory_space<hbm>> -> memref<16xf32, #tpu.memory_space<hbm>>
      %dma_start3A_58 = arith.constant 0 : i32
      %dma_start3A_59 = tpu.memref_slice %arg2[%add3A, %dma_start3A_58] : memref<32x16xf32, #tpu.memory_space<hbm>> -> memref<1x16xf32, #tpu.memory_space<hbm>>
      %dma_start3A_60 = tpu.memref_squeeze %dma_start3A_59 : memref<1x16xf32, #tpu.memory_space<hbm>> -> memref<16xf32, #tpu.memory_space<hbm>>
      tpu.enqueue_dma source(%dma_start3A_60 : memref<16xf32, #tpu.memory_space<hbm>>) target(%arg4 : memref<16xf32, #tpu.memory_space<vmem>>) target_semaphore(%run_scoped3A : memref<!tpu.dma_semaphore, #tpu.memory_space<semaphore_mem>>)
      %dma_wait3A = arith.constant 0 : i32
      %dma_wait3A_61 = tpu.memref_slice %arg2[%add3A, %dma_wait3A] : memref<32x16xf32, #tpu.memory_space<hbm>> -> memref<1x16xf32, #tpu.memory_space<hbm>>
      %dma_wait3A_62 = tpu.memref_squeeze %dma_wait3A_61 : memref<1x16xf32, #tpu.memory_space<hbm>> -> memref<16xf32, #tpu.memory_space<hbm>>
      %dma_wait3A_63 = arith.constant 0 : i32
      %dma_wait3A_64 = tpu.memref_slice %arg2[%add3A, %dma_wait3A_63] : memref<32x16xf32, #tpu.memory_space<hbm>> -> memref<1x16xf32, #tpu.memory_space<hbm>>
      %dma_wait3A_65 = tpu.memref_squeeze %dma_wait3A_64 : memref<1x16xf32, #tpu.memory_space<hbm>> -> memref<16xf32, #tpu.memory_space<hbm>>
      tpu.wait_dma2 semaphore(%run_scoped3A : memref<!tpu.dma_semaphore, #tpu.memory_space<semaphore_mem>>) src(%dma_wait3A_65 : memref<16xf32, #tpu.memory_space<hbm>>) dst(%arg4 : memref<16xf32, #tpu.memory_space<vmem>>)
      tpu.yield
    }) : () -> ()
    %get3A = arith.constant 0 : index
    %get3A_1 = tpu.vector_load %arg4[%get3A] {strides = array<i32>} : memref<16xf32, #tpu.memory_space<vmem>>, vector<16xf32>,
    %iota3A = tpu.iota {dimensions = array<i32: 0>} : vector<16xi32>
    %reduce_max3A = arith.constant true
    %reduce_max3A_2 = vector.broadcast %reduce_max3A : i1 to vector<16xi1>
    %reduce_max3A_3 = tpu.scan <max>, %get3A_1 masked %reduce_max3A_2 : vector<16xf32>, vector<16xi1> -> vector<16xf32>
    %reduce_max3A_4 = vector.extract %reduce_max3A_3[15] : f32 from vector<16xf32>
    %eq3A = vector.broadcast %reduce_max3A_4 : f32 to vector<16xf32>
    %eq3A_5 = arith.cmpf oeq, %get3A_1, %eq3A : vector<16xf32>
    %jit3A = arith.constant 16 : i32
    %broadcast_in_dim3A = vector.broadcast %jit3A : i32 to vector<16xi32>
    %select_n3A = arith.select %eq3A_5, %iota3A, %broadcast_in_dim3A : vector<16xi1>, vector<16xi32>
    %reduce_min3A = arith.constant true
    %reduce_min3A_6 = vector.broadcast %reduce_min3A : i1 to vector<16xi1>
    %reduce_min3A_7 = arith.constant -2147483648 : i32
    %reduce_min3A_8 = vector.broadcast %reduce_min3A_7 : i32 to vector<16xi32>
    %reduce_min3A_9 = arith.xori %select_n3A, %reduce_min3A_8 : vector<16xi32>
    %reduce_min3A_10 = tpu.scan <min>, %reduce_min3A_9 masked %reduce_min3A_6 : vector<16xi32>, vector<16xi1> -> vector<16xi32>
    %reduce_min3A_11 = arith.xori %reduce_min3A_10, %reduce_min3A_8 : vector<16xi32>
    %reduce_min3A_12 = vector.extract %reduce_min3A_11[15] : i32 from vector<16xi32>
    %eq3A_13 = vector.broadcast %reduce_min3A_12 : i32 to vector<16xi32>
    %eq3A_14 = arith.cmpi eq, %iota3A, %eq3A_13 : vector<16xi32>
    %jit3A_15 = arith.constant -1.000000e+30 : f32
    %broadcast_in_dim3A_16 = vector.broadcast %jit3A_15 : f32 to vector<16xf32>
    %select_n3A_17 = arith.select %eq3A_14, %broadcast_in_dim3A_16, %get3A_1 : vector<16xi1>, vector<16xf32>
    %reduce_max3A_18 = arith.constant true
    %reduce_max3A_19 = vector.broadcast %reduce_max3A_18 : i1 to vector<16xi1>
    %reduce_max3A_20 = tpu.scan <max>, %select_n3A_17 masked %reduce_max3A_19 : vector<16xf32>, vector<16xi1> -> vector<16xf32>
    %reduce_max3A_21 = vector.extract %reduce_max3A_20[15] : f32 from vector<16xf32>
    %eq3A_22 = vector.broadcast %reduce_max3A_21 : f32 to vector<16xf32>
    %eq3A_23 = arith.cmpf oeq, %select_n3A_17, %eq3A_22 : vector<16xf32>
    %jit3A_24 = arith.constant 16 : i32
    %broadcast_in_dim3A_25 = vector.broadcast %jit3A_24 : i32 to vector<16xi32>
    %select_n3A_26 = arith.select %eq3A_23, %iota3A, %broadcast_in_dim3A_25 : vector<16xi1>, vector<16xi32>
    %reduce_min3A_27 = arith.constant true
    %reduce_min3A_28 = vector.broadcast %reduce_min3A_27 : i1 to vector<16xi1>
    %reduce_min3A_29 = arith.constant -2147483648 : i32
    %reduce_min3A_30 = vector.broadcast %reduce_min3A_29 : i32 to vector<16xi32>
    %reduce_min3A_31 = arith.xori %select_n3A_26, %reduce_min3A_30 : vector<16xi32>
    %reduce_min3A_32 = tpu.scan <min>, %reduce_min3A_31 masked %reduce_min3A_28 : vector<16xi32>, vector<16xi1> -> vector<16xi32>
    %reduce_min3A_33 = arith.xori %reduce_min3A_32, %reduce_min3A_30 : vector<16xi32>
    %reduce_min3A_34 = vector.extract %reduce_min3A_33[15] : i32 from vector<16xi32>
    %sub3A = arith.subf %reduce_max3A_21, %reduce_max3A_4 : f32
    %broadcast_in_dim3A_35 = vector.broadcast %sub3A : f32 to vector<16xf32>
    %exp3A = math.exp %broadcast_in_dim3A_35 : vector<16xf32>
    %add3A_36 = arith.constant 1.000000e+00 : f32
    %add3A_37 = vector.broadcast %add3A_36 : f32 to vector<16xf32>
    %add3A_38 = arith.addf %add3A_37, %exp3A : vector<16xf32>
    %div3A = arith.constant 1.000000e+00 : f32
    %div3A_39 = vector.broadcast %div3A : f32 to vector<16xf32>
    %div3A_40 = arith.divf %div3A_39, %add3A_38 : vector<16xf32>
    %sub3A_41 = arith.constant 1.000000e+00 : f32
    %sub3A_42 = vector.broadcast %sub3A_41 : f32 to vector<16xf32>
    %sub3A_43 = arith.subf %sub3A_42, %div3A_40 : vector<16xf32>
    %eq3A_44 = vector.broadcast %reduce_min3A_12 : i32 to vector<16xi32>
    %eq3A_45 = arith.cmpi eq, %iota3A, %eq3A_44 : vector<16xi32>
    %jit3A_46 = arith.constant 0.000000e+00 : f32
    %broadcast_in_dim3A_47 = vector.broadcast %jit3A_46 : f32 to vector<16xf32>
    %select_n3A_48 = arith.select %eq3A_45, %div3A_40, %broadcast_in_dim3A_47 : vector<16xi1>, vector<16xf32>
    %eq3A_49 = vector.broadcast %reduce_min3A_34 : i32 to vector<16xi32>
    %eq3A_50 = arith.cmpi eq, %iota3A, %eq3A_49 : vector<16xi32>
    %jit3A_51 = arith.constant 0.000000e+00 : f32
    %broadcast_in_dim3A_52 = vector.broadcast %jit3A_51 : f32 to vector<16xf32>
    %select_n3A_53 = arith.select %eq3A_50, %sub3A_43, %broadcast_in_dim3A_52 : vector<16xi1>, vector<16xf32>
    %add3A_54 = arith.addf %select_n3A_48, %select_n3A_53 : vector<16xf32>
    %swap3A = arith.constant 0 : index
    %swap3A_55 = tpu.vector_load %arg5[%swap3A] {strides = array<i32>} : memref<16xf32, #tpu.memory_space<vmem>>, vector<16xf32>,
    tpu.vector_store %arg5[%swap3A], %add3A_54 {strides = array<i32>} : memref<16xf32, #tpu.memory_space<vmem>>, vector<16xf32>,
    "tpu.region"() ({
      %run_scoped3A = tpu.sem_alloc : memref<!tpu.dma_semaphore, #tpu.memory_space<semaphore_mem>>
      %dma_start3A = arith.constant 0 : i32
      %dma_start3A_56 = tpu.memref_slice %arg3[%add3A, %dma_start3A] : memref<32x16xf32, #tpu.memory_space<hbm>> -> memref<1x16xf32, #tpu.memory_space<hbm>>
      %dma_start3A_57 = tpu.memref_squeeze %dma_start3A_56 : memref<1x16xf32, #tpu.memory_space<hbm>> -> memref<16xf32, #tpu.memory_space<hbm>>
      %dma_start3A_58 = arith.constant 0 : i32
      %dma_start3A_59 = tpu.memref_slice %arg3[%add3A, %dma_start3A_58] : memref<32x16xf32, #tpu.memory_space<hbm>> -> memref<1x16xf32, #tpu.memory_space<hbm>>
      %dma_start3A_60 = tpu.memref_squeeze %dma_start3A_59 : memref<1x16xf32, #tpu.memory_space<hbm>> -> memref<16xf32, #tpu.memory_space<hbm>>
      tpu.enqueue_dma source(%arg5 : memref<16xf32, #tpu.memory_space<vmem>>) target(%dma_start3A_60 : memref<16xf32, #tpu.memory_space<hbm>>) target_semaphore(%run_scoped3A : memref<!tpu.dma_semaphore, #tpu.memory_space<semaphore_mem>>)
      %dma_wait3A = arith.constant 0 : i32
      %dma_wait3A_61 = tpu.memref_slice %arg3[%add3A, %dma_wait3A] : memref<32x16xf32, #tpu.memory_space<hbm>> -> memref<1x16xf32, #tpu.memory_space<hbm>>
      %dma_wait3A_62 = tpu.memref_squeeze %dma_wait3A_61 : memref<1x16xf32, #tpu.memory_space<hbm>> -> memref<16xf32, #tpu.memory_space<hbm>>
      %dma_wait3A_63 = arith.constant 0 : i32
      %dma_wait3A_64 = tpu.memref_slice %arg3[%add3A, %dma_wait3A_63] : memref<32x16xf32, #tpu.memory_space<hbm>> -> memref<1x16xf32, #tpu.memory_space<hbm>>
      %dma_wait3A_65 = tpu.memref_squeeze %dma_wait3A_64 : memref<1x16xf32, #tpu.memory_space<hbm>> -> memref<16xf32, #tpu.memory_space<hbm>>
      tpu.wait_dma2 semaphore(%run_scoped3A : memref<!tpu.dma_semaphore, #tpu.memory_space<semaphore_mem>>) src(%arg5 : memref<16xf32, #tpu.memory_space<vmem>>) dst(%dma_wait3A_65 : memref<16xf32, #tpu.memory_space<hbm>>)
      tpu.yield
    }) : () -> ()
    return
  }
}

module attributes {stable_mosaic.version = 14 : i64} {
  func.func @_phase1_kernel(%arg0: i32, %arg1: memref<1x256x2048xf32, #tpu.memory_space<vmem>>, %arg2: memref<16x2048xf32, #tpu.memory_space<vmem>>, %arg3: memref<1x16xf32, #tpu.memory_space<vmem>>, %arg4: memref<16x2048xf32, #tpu.memory_space<vmem>>, %arg5: memref<1x16xf32, #tpu.memory_space<vmem>>, %arg6: memref<32x16xf32, #tpu.memory_space<vmem>>, %arg7: memref<32x16xf32, #tpu.memory_space<vmem>>, %arg8: memref<1x1xf32, #tpu.memory_space<smem>>, %arg9: memref<32x2048xf32, #tpu.memory_space<vmem>>) attributes {dimension_semantics = [#tpu.dimension_semantics<arbitrary>], iteration_bounds = array<i64: 32>, scalar_prefetch = 0 : i64, scratch_operands = 1 : i64, tpu.core_type = #tpu.core_type<tc>, window_params = [{transform_indices = @transform_0, window_bounds = array<i64: 1, 256, 2048>}, {pipeline_mode = #tpu.pipeline_mode<synchronous>, transform_indices = @transform_1, window_bounds = array<i64: 16, 2048>}, {pipeline_mode = #tpu.pipeline_mode<synchronous>, transform_indices = @transform_2, window_bounds = array<i64: 1, 16>}, {pipeline_mode = #tpu.pipeline_mode<synchronous>, transform_indices = @transform_3, window_bounds = array<i64: 16, 2048>}, {pipeline_mode = #tpu.pipeline_mode<synchronous>, transform_indices = @transform_4, window_bounds = array<i64: 1, 16>}, {pipeline_mode = #tpu.pipeline_mode<synchronous>, transform_indices = @transform_5, window_bounds = array<i64: 32, 16>}, {pipeline_mode = #tpu.pipeline_mode<synchronous>, transform_indices = @transform_6, window_bounds = array<i64: 32, 16>}, {transform_indices = @transform_7, window_bounds = array<i64: 1, 1>}]} {
    %get3A = arith.constant 0 : index
    %get3A_0 = arith.constant 0 : index
    %get3A_1 = arith.constant 0 : index
    %get3A_2 = vector.load %arg1[%get3A, %get3A_0, %get3A_1] : memref<1x256x2048xf32, #tpu.memory_space<vmem>>, vector<1x256x2048xf32>
    %get3A_3 = vector.shape_cast %get3A_2 : vector<1x256x2048xf32> to vector<256x2048xf32>
    %reduce_sum3A = arith.constant dense<0.000000e+00> : vector<2048xf32>
    %reduce_sum3A_4 = vector.multi_reduction <add>, %get3A_3, %reduce_sum3A [0] : vector<256x2048xf32> to vector<2048xf32>
    %broadcast_in_dim3A = vector.shape_cast %reduce_sum3A_4 : vector<2048xf32> to vector<1x2048xf32>
    %mul3A = arith.constant 3.906250e-03 : f32
    %mul3A_5 = vector.broadcast %mul3A : f32 to vector<1x2048xf32>
    %mul3A_6 = arith.mulf %broadcast_in_dim3A, %mul3A_5 : vector<1x2048xf32>
    %swap3A = arith.index_cast %arg0 : i32 to index
    %swap3A_7 = arith.constant 0 : index
    %swap3A_8 = vector.load %arg9[%swap3A, %swap3A_7] : memref<32x2048xf32, #tpu.memory_space<vmem>>, vector<1x2048xf32>
    tpu.vector_store %arg9[%swap3A, %swap3A_7], %mul3A_6 {strides = array<i32>} : memref<32x2048xf32, #tpu.memory_space<vmem>>, vector<1x2048xf32>,
    %eq3A = arith.constant 31 : i32
    %eq3A_9 = arith.cmpi eq, %arg0, %eq3A : i32
    %convert_element_type3A = arith.extui %eq3A_9 : i1 to i32
    %cond3A = arith.constant 0 : i32
    %cond3A_10 = arith.cmpi ne, %convert_element_type3A, %cond3A : i32
    scf.if %cond3A_10 {
      %get3A_11 = arith.constant 0 : index
      %get3A_12 = arith.constant 0 : index
      %get3A_13 = vector.load %arg9[%get3A_11, %get3A_12] : memref<32x2048xf32, #tpu.memory_space<vmem>>, vector<32x2048xf32>
      %get3A_14 = arith.constant 0 : index
      %get3A_15 = arith.constant 0 : index
      %get3A_16 = vector.load %arg2[%get3A_14, %get3A_15] : memref<16x2048xf32, #tpu.memory_space<vmem>>, vector<16x2048xf32>
      %dot_general3A = arith.constant dense<0.000000e+00> : vector<32x16xf32>
      %dot_general3A_17 = tpu.matmul %get3A_13, %get3A_16, %dot_general3A {dimension_numbers = #tpu.dot_dimension_numbers<[1], [1], [0], [0], [0, 0, 1, 0], [], []>, transpose_lhs_hint = false} : vector<32x2048xf32>, vector<16x2048xf32>, vector<32x16xf32> -> vector<32x16xf32>
      %get3A_18 = arith.constant 0 : index
      %get3A_19 = arith.constant 0 : index
      %get3A_20 = vector.load %arg3[%get3A_18, %get3A_19] : memref<1x16xf32, #tpu.memory_space<vmem>>, vector<1x16xf32>
      %add3A = vector.broadcast %get3A_20 : vector<1x16xf32> to vector<32x16xf32>
      %add3A_21 = arith.addf %dot_general3A_17, %add3A : vector<32x16xf32>
      %reduce_max3A = arith.constant dense<0xFF800000> : vector<32xf32>
      %reduce_max3A_22 = vector.multi_reduction <maximumf>, %add3A_21, %reduce_max3A [1] : vector<32x16xf32> to vector<32xf32>
      %max3A = arith.constant 0xFF800000 : f32
      %max3A_23 = vector.broadcast %max3A : f32 to vector<32xf32>
      %max3A_24 = arith.maximumf %max3A_23, %reduce_max3A_22 : vector<32xf32>
      %broadcast_in_dim3A_25 = vector.shape_cast %max3A_24 : vector<32xf32> to vector<32x1xf32>
      %sub3A = vector.broadcast %broadcast_in_dim3A_25 : vector<32x1xf32> to vector<32x16xf32>
      %sub3A_26 = arith.subf %add3A_21, %sub3A : vector<32x16xf32>
      %exp3A = math.exp %sub3A_26 : vector<32x16xf32>
      %reduce_sum3A_27 = arith.constant dense<0.000000e+00> : vector<32xf32>
      %reduce_sum3A_28 = vector.multi_reduction <add>, %exp3A, %reduce_sum3A_27 [1] : vector<32x16xf32> to vector<32xf32>
      %broadcast_in_dim3A_29 = vector.shape_cast %reduce_sum3A_28 : vector<32xf32> to vector<32x1xf32>
      %div3A = vector.broadcast %broadcast_in_dim3A_29 : vector<32x1xf32> to vector<32x16xf32>
      %div3A_30 = arith.divf %exp3A, %div3A : vector<32x16xf32>
      %get3A_31 = arith.constant 0 : index
      %get3A_32 = arith.constant 0 : index
      %get3A_33 = vector.load %arg4[%get3A_31, %get3A_32] : memref<16x2048xf32, #tpu.memory_space<vmem>>, vector<16x2048xf32>
      %dot_general3A_34 = arith.constant dense<0.000000e+00> : vector<32x16xf32>
      %dot_general3A_35 = tpu.matmul %get3A_13, %get3A_33, %dot_general3A_34 {dimension_numbers = #tpu.dot_dimension_numbers<[1], [1], [0], [0], [0, 0, 1, 0], [], []>, transpose_lhs_hint = false} : vector<32x2048xf32>, vector<16x2048xf32>, vector<32x16xf32> -> vector<32x16xf32>
      %get3A_36 = arith.constant 0 : index
      %get3A_37 = arith.constant 0 : index
      %get3A_38 = vector.load %arg5[%get3A_36, %get3A_37] : memref<1x16xf32, #tpu.memory_space<vmem>>, vector<1x16xf32>
      %add3A_39 = vector.broadcast %get3A_38 : vector<1x16xf32> to vector<32x16xf32>
      %add3A_40 = arith.addf %dot_general3A_35, %add3A_39 : vector<32x16xf32>
      %get3A_41 = arith.constant 0 : index
      %get3A_42 = arith.constant 0 : index
      %get3A_43 = vector.load %arg6[%get3A_41, %get3A_42] : memref<32x16xf32, #tpu.memory_space<vmem>>, vector<32x16xf32>
      %custom_jvp_call3A = arith.constant 0.000000e+00 : f32
      %max3A_44 = vector.broadcast %custom_jvp_call3A : f32 to vector<32x16xf32>
      %max3A_45 = arith.maximumf %add3A_40, %max3A_44 : vector<32x16xf32>
      %sub3A_46 = vector.broadcast %custom_jvp_call3A : f32 to vector<32x16xf32>
      %sub3A_47 = arith.subf %add3A_40, %sub3A_46 : vector<32x16xf32>
      %ne3A = arith.cmpf one, %sub3A_47, %sub3A_47 : vector<32x16xf32>
      %add3A_48 = vector.broadcast %custom_jvp_call3A : f32 to vector<32x16xf32>
      %add3A_49 = arith.addf %add3A_40, %add3A_48 : vector<32x16xf32>
      %abs3A = math.absf %sub3A_47 : vector<32x16xf32>
      %neg3A = arith.constant 0.000000e+00 : f32
      %neg3A_50 = vector.broadcast %neg3A : f32 to vector<32x16xf32>
      %neg3A_51 = arith.subf %neg3A_50, %abs3A : vector<32x16xf32>
      %exp3A_52 = math.exp %neg3A_51 : vector<32x16xf32>
      %log1p3A = math.log1p %exp3A_52 : vector<32x16xf32>
      %add3A_53 = arith.addf %max3A_45, %log1p3A : vector<32x16xf32>
      %select_n3A = arith.select %ne3A, %add3A_49, %add3A_53 : vector<32x16xi1>, vector<32x16xf32>
      %mul3A_54 = arith.mulf %get3A_43, %select_n3A : vector<32x16xf32>
      %reduce_max3A_55 = arith.constant dense<0xFF800000> : vector<32xf32>
      %reduce_max3A_56 = vector.multi_reduction <maximumf>, %mul3A_54, %reduce_max3A_55 [1] : vector<32x16xf32> to vector<32xf32>
      %max3A_57 = arith.constant 0xFF800000 : f32
      %max3A_58 = vector.broadcast %max3A_57 : f32 to vector<32xf32>
      %max3A_59 = arith.maximumf %max3A_58, %reduce_max3A_56 : vector<32xf32>
      %broadcast_in_dim3A_60 = vector.shape_cast %max3A_59 : vector<32xf32> to vector<32x1xf32>
      %sub3A_61 = vector.broadcast %broadcast_in_dim3A_60 : vector<32x1xf32> to vector<32x16xf32>
      %sub3A_62 = arith.subf %mul3A_54, %sub3A_61 : vector<32x16xf32>
      %exp3A_63 = math.exp %sub3A_62 : vector<32x16xf32>
      %reduce_sum3A_64 = arith.constant dense<0.000000e+00> : vector<32xf32>
      %reduce_sum3A_65 = vector.multi_reduction <add>, %exp3A_63, %reduce_sum3A_64 [1] : vector<32x16xf32> to vector<32xf32>
      %broadcast_in_dim3A_66 = vector.shape_cast %reduce_sum3A_65 : vector<32xf32> to vector<32x1xf32>
      %div3A_67 = vector.broadcast %broadcast_in_dim3A_66 : vector<32x1xf32> to vector<32x16xf32>
      %div3A_68 = arith.divf %exp3A_63, %div3A_67 : vector<32x16xf32>
      %add3A_69 = arith.addf %div3A_30, %div3A_68 : vector<32x16xf32>
      %swap3A_70 = arith.constant 0 : index
      %swap3A_71 = arith.constant 0 : index
      %swap3A_72 = vector.load %arg7[%swap3A_70, %swap3A_71] : memref<32x16xf32, #tpu.memory_space<vmem>>, vector<32x16xf32>
      tpu.vector_store %arg7[%swap3A_70, %swap3A_71], %add3A_69 {strides = array<i32>} : memref<32x16xf32, #tpu.memory_space<vmem>>, vector<32x16xf32>,
      %exp3A_73 = math.exp %add3A_69 : vector<32x16xf32>
      %reduce_sum3A_74 = arith.constant dense<0.000000e+00> : vector<32xf32>
      %reduce_sum3A_75 = vector.multi_reduction <add>, %exp3A_73, %reduce_sum3A_74 [1] : vector<32x16xf32> to vector<32xf32>
      %broadcast_in_dim3A_76 = vector.shape_cast %reduce_sum3A_75 : vector<32xf32> to vector<32x1xf32>
      %log3A = math.log %broadcast_in_dim3A_76 : vector<32x1xf32>
      %mul3A_77 = arith.mulf %log3A, %log3A : vector<32x1xf32>
      %reduce_sum3A_78 = vector.shape_cast %mul3A_77 : vector<32x1xf32> to vector<1x32x1xf32>
      %reduce_sum3A_79 = arith.constant dense<0.000000e+00> : vector<1xf32>
      %reduce_sum3A_80 = vector.multi_reduction <add>, %reduce_sum3A_78, %reduce_sum3A_79 [1, 2] : vector<1x32x1xf32> to vector<1xf32>
      %reduce_sum3A_81 = vector.shape_cast %reduce_sum3A_80 : vector<1xf32> to vector<1x1x1xf32>
      %reduce_sum3A_82 = vector.extract %reduce_sum3A_81[0, 0, 0] : f32 from vector<1x1x1xf32>
      %mul3A_83 = arith.constant 3.125000e-02 : f32
      %mul3A_84 = arith.mulf %reduce_sum3A_82, %mul3A_83 : f32
      %swap3A_85 = arith.constant 0 : index
      %swap3A_86 = arith.constant 0 : index
      %swap3A_87 = memref.load %arg8[%swap3A_85, %swap3A_86] : memref<1x1xf32, #tpu.memory_space<smem>>
      memref.store %mul3A_84, %arg8[%swap3A_85, %swap3A_86] : memref<1x1xf32, #tpu.memory_space<smem>>
    } else {
    }
    return
  }
  func.func @transform_0(%arg0: i32) -> (i32, i32, i32) {
    %c0_i32 = arith.constant 0 : i32
    %c0_i32_0 = arith.constant 0 : i32
    %c0_i32_1 = arith.constant 0 : i32
    return %arg0, %c0_i32, %c0_i32_0 : i32, i32, i32
  }
  func.func @transform_1(%arg0: i32) -> (i32, i32) {
    %c0_i32 = arith.constant 0 : i32
    %c0_i32_0 = arith.constant 0 : i32
    %c0_i32_1 = arith.constant 0 : i32
    return %c0_i32, %c0_i32_0 : i32, i32
  }
  func.func @transform_2(%arg0: i32) -> (i32, i32) {
    %c0_i32 = arith.constant 0 : i32
    %c0_i32_0 = arith.constant 0 : i32
    %c0_i32_1 = arith.constant 0 : i32
    return %c0_i32, %c0_i32_0 : i32, i32
  }
  func.func @transform_3(%arg0: i32) -> (i32, i32) {
    %c0_i32 = arith.constant 0 : i32
    %c0_i32_0 = arith.constant 0 : i32
    %c0_i32_1 = arith.constant 0 : i32
    return %c0_i32, %c0_i32_0 : i32, i32
  }
  func.func @transform_4(%arg0: i32) -> (i32, i32) {
    %c0_i32 = arith.constant 0 : i32
    %c0_i32_0 = arith.constant 0 : i32
    %c0_i32_1 = arith.constant 0 : i32
    return %c0_i32, %c0_i32_0 : i32, i32
  }
  func.func @transform_5(%arg0: i32) -> (i32, i32) {
    %c0_i32 = arith.constant 0 : i32
    %c0_i32_0 = arith.constant 0 : i32
    %c0_i32_1 = arith.constant 0 : i32
    return %c0_i32, %c0_i32_0 : i32, i32
  }
  func.func @transform_6(%arg0: i32) -> (i32, i32) {
    %c0_i32 = arith.constant 0 : i32
    %c0_i32_0 = arith.constant 0 : i32
    %c0_i32_1 = arith.constant 0 : i32
    return %c0_i32, %c0_i32_0 : i32, i32
  }
  func.func @transform_7(%arg0: i32) -> (i32, i32) {
    %c0_i32 = arith.constant 0 : i32
    %c0_i32_0 = arith.constant 0 : i32
    %c0_i32_1 = arith.constant 0 : i32
    return %c0_i32, %c0_i32_0 : i32, i32
  }
}

module attributes {stable_mosaic.version = 14 : i64} {
  func.func @_combine_kernel(%arg0: i32, %arg1: memref<32x16xf32, #tpu.memory_space<vmem>>, %arg2: memref<16x64x512xf32, #tpu.memory_space<vmem>>, %arg3: memref<64x512xf32, #tpu.memory_space<vmem>>, %arg4: memref<1x16xf32, #tpu.memory_space<smem>>) attributes {dimension_semantics = [#tpu.dimension_semantics<arbitrary>], iteration_bounds = array<i64: 16>, scalar_prefetch = 0 : i64, scratch_operands = 1 : i64, tpu.core_type = #tpu.core_type<tc>, window_params = [{pipeline_mode = #tpu.pipeline_mode<synchronous>, transform_indices = @transform_0, window_bounds = array<i64: 32, 16>}, {transform_indices = @transform_1, window_bounds = array<i64: 16, 64, 512>}, {transform_indices = @transform_2, window_bounds = array<i64: 64, 512>}]} {
    %eq3A = arith.constant 0 : i32
    %eq3A_0 = arith.cmpi eq, %arg0, %eq3A : i32
    %convert_element_type3A = arith.extui %eq3A_0 : i1 to i32
    %cond3A = arith.constant 0 : i32
    %cond3A_1 = arith.cmpi ne, %convert_element_type3A, %cond3A : i32
    scf.if %cond3A_1 {
      %get3A_176 = arith.constant 0 : index
      %get3A_177 = arith.constant 0 : index
      %get3A_178 = vector.load %arg1[%get3A_176, %get3A_177] : memref<32x16xf32, #tpu.memory_space<vmem>>, vector<32x16xf32>
      %reduce_sum3A = arith.constant dense<0.000000e+00> : vector<16xf32>
      %reduce_sum3A_179 = vector.multi_reduction <add>, %get3A_178, %reduce_sum3A [0] : vector<32x16xf32> to vector<16xf32>
      %broadcast_in_dim3A = vector.shape_cast %reduce_sum3A_179 : vector<16xf32> to vector<1x16xf32>
      %mul3A_180 = arith.constant 3.125000e-02 : f32
      %mul3A_181 = vector.broadcast %mul3A_180 : f32 to vector<1x16xf32>
      %mul3A_182 = arith.mulf %broadcast_in_dim3A, %mul3A_181 : vector<1x16xf32>
      %iota3A = tpu.iota {dimensions = array<i32: 1>} : vector<1x16xi32>
      %eq3A_183 = arith.constant 0 : i32
      %eq3A_184 = vector.broadcast %eq3A_183 : i32 to vector<1x16xi32>
      %eq3A_185 = arith.cmpi eq, %iota3A, %eq3A_184 : vector<1x16xi32>
      %jit3A = arith.constant 0.000000e+00 : f32
      %broadcast_in_dim3A_186 = vector.broadcast %jit3A : f32 to vector<1x16xf32>
      %select_n3A = arith.select %eq3A_185, %mul3A_182, %broadcast_in_dim3A_186 : vector<1x16xi1>, vector<1x16xf32>
      %reduce_sum3A_187 = vector.shape_cast %select_n3A : vector<1x16xf32> to vector<1x1x16xf32>
      %reduce_sum3A_188 = arith.constant dense<0.000000e+00> : vector<1xf32>
      %reduce_sum3A_189 = vector.multi_reduction <add>, %reduce_sum3A_187, %reduce_sum3A_188 [1, 2] : vector<1x1x16xf32> to vector<1xf32>
      %reduce_sum3A_190 = vector.shape_cast %reduce_sum3A_189 : vector<1xf32> to vector<1x1x1xf32>
      %reduce_sum3A_191 = vector.extract %reduce_sum3A_190[0, 0, 0] : f32 from vector<1x1x1xf32>
      %swap3A_192 = arith.constant 0 : index
      %swap3A_193 = arith.constant 0 : index
      %swap3A_194 = memref.load %arg4[%swap3A_192, %swap3A_193] : memref<1x16xf32, #tpu.memory_space<smem>>
      memref.store %reduce_sum3A_191, %arg4[%swap3A_192, %swap3A_193] : memref<1x16xf32, #tpu.memory_space<smem>>
      %eq3A_195 = arith.constant 1 : i32
      %eq3A_196 = vector.broadcast %eq3A_195 : i32 to vector<1x16xi32>
      %eq3A_197 = arith.cmpi eq, %iota3A, %eq3A_196 : vector<1x16xi32>
      %jit3A_198 = arith.constant 0.000000e+00 : f32
      %broadcast_in_dim3A_199 = vector.broadcast %jit3A_198 : f32 to vector<1x16xf32>
      %select_n3A_200 = arith.select %eq3A_197, %mul3A_182, %broadcast_in_dim3A_199 : vector<1x16xi1>, vector<1x16xf32>
      %reduce_sum3A_201 = vector.shape_cast %select_n3A_200 : vector<1x16xf32> to vector<1x1x16xf32>
      %reduce_sum3A_202 = arith.constant dense<0.000000e+00> : vector<1xf32>
      %reduce_sum3A_203 = vector.multi_reduction <add>, %reduce_sum3A_201, %reduce_sum3A_202 [1, 2] : vector<1x1x16xf32> to vector<1xf32>
      %reduce_sum3A_204 = vector.shape_cast %reduce_sum3A_203 : vector<1xf32> to vector<1x1x1xf32>
      %reduce_sum3A_205 = vector.extract %reduce_sum3A_204[0, 0, 0] : f32 from vector<1x1x1xf32>
      %swap3A_206 = arith.constant 0 : index
      %swap3A_207 = arith.constant 1 : index
      %swap3A_208 = memref.load %arg4[%swap3A_206, %swap3A_207] : memref<1x16xf32, #tpu.memory_space<smem>>
      memref.store %reduce_sum3A_205, %arg4[%swap3A_206, %swap3A_207] : memref<1x16xf32, #tpu.memory_space<smem>>
      %eq3A_209 = arith.constant 2 : i32
      %eq3A_210 = vector.broadcast %eq3A_209 : i32 to vector<1x16xi32>
      %eq3A_211 = arith.cmpi eq, %iota3A, %eq3A_210 : vector<1x16xi32>
      %jit3A_212 = arith.constant 0.000000e+00 : f32
      %broadcast_in_dim3A_213 = vector.broadcast %jit3A_212 : f32 to vector<1x16xf32>
      %select_n3A_214 = arith.select %eq3A_211, %mul3A_182, %broadcast_in_dim3A_213 : vector<1x16xi1>, vector<1x16xf32>
      %reduce_sum3A_215 = vector.shape_cast %select_n3A_214 : vector<1x16xf32> to vector<1x1x16xf32>
      %reduce_sum3A_216 = arith.constant dense<0.000000e+00> : vector<1xf32>
      %reduce_sum3A_217 = vector.multi_reduction <add>, %reduce_sum3A_215, %reduce_sum3A_216 [1, 2] : vector<1x1x16xf32> to vector<1xf32>
      %reduce_sum3A_218 = vector.shape_cast %reduce_sum3A_217 : vector<1xf32> to vector<1x1x1xf32>
      %reduce_sum3A_219 = vector.extract %reduce_sum3A_218[0, 0, 0] : f32 from vector<1x1x1xf32>
      %swap3A_220 = arith.constant 0 : index
      %swap3A_221 = arith.constant 2 : index
      %swap3A_222 = memref.load %arg4[%swap3A_220, %swap3A_221] : memref<1x16xf32, #tpu.memory_space<smem>>
      memref.store %reduce_sum3A_219, %arg4[%swap3A_220, %swap3A_221] : memref<1x16xf32, #tpu.memory_space<smem>>
      %eq3A_223 = arith.constant 3 : i32
      %eq3A_224 = vector.broadcast %eq3A_223 : i32 to vector<1x16xi32>
      %eq3A_225 = arith.cmpi eq, %iota3A, %eq3A_224 : vector<1x16xi32>
      %jit3A_226 = arith.constant 0.000000e+00 : f32
      %broadcast_in_dim3A_227 = vector.broadcast %jit3A_226 : f32 to vector<1x16xf32>
      %select_n3A_228 = arith.select %eq3A_225, %mul3A_182, %broadcast_in_dim3A_227 : vector<1x16xi1>, vector<1x16xf32>
      %reduce_sum3A_229 = vector.shape_cast %select_n3A_228 : vector<1x16xf32> to vector<1x1x16xf32>
      %reduce_sum3A_230 = arith.constant dense<0.000000e+00> : vector<1xf32>
      %reduce_sum3A_231 = vector.multi_reduction <add>, %reduce_sum3A_229, %reduce_sum3A_230 [1, 2] : vector<1x1x16xf32> to vector<1xf32>
      %reduce_sum3A_232 = vector.shape_cast %reduce_sum3A_231 : vector<1xf32> to vector<1x1x1xf32>
      %reduce_sum3A_233 = vector.extract %reduce_sum3A_232[0, 0, 0] : f32 from vector<1x1x1xf32>
      %swap3A_234 = arith.constant 0 : index
      %swap3A_235 = arith.constant 3 : index
      %swap3A_236 = memref.load %arg4[%swap3A_234, %swap3A_235] : memref<1x16xf32, #tpu.memory_space<smem>>
      memref.store %reduce_sum3A_233, %arg4[%swap3A_234, %swap3A_235] : memref<1x16xf32, #tpu.memory_space<smem>>
      %eq3A_237 = arith.constant 4 : i32
      %eq3A_238 = vector.broadcast %eq3A_237 : i32 to vector<1x16xi32>
      %eq3A_239 = arith.cmpi eq, %iota3A, %eq3A_238 : vector<1x16xi32>
      %jit3A_240 = arith.constant 0.000000e+00 : f32
      %broadcast_in_dim3A_241 = vector.broadcast %jit3A_240 : f32 to vector<1x16xf32>
      %select_n3A_242 = arith.select %eq3A_239, %mul3A_182, %broadcast_in_dim3A_241 : vector<1x16xi1>, vector<1x16xf32>
      %reduce_sum3A_243 = vector.shape_cast %select_n3A_242 : vector<1x16xf32> to vector<1x1x16xf32>
      %reduce_sum3A_244 = arith.constant dense<0.000000e+00> : vector<1xf32>
      %reduce_sum3A_245 = vector.multi_reduction <add>, %reduce_sum3A_243, %reduce_sum3A_244 [1, 2] : vector<1x1x16xf32> to vector<1xf32>
      %reduce_sum3A_246 = vector.shape_cast %reduce_sum3A_245 : vector<1xf32> to vector<1x1x1xf32>
      %reduce_sum3A_247 = vector.extract %reduce_sum3A_246[0, 0, 0] : f32 from vector<1x1x1xf32>
      %swap3A_248 = arith.constant 0 : index
      %swap3A_249 = arith.constant 4 : index
      %swap3A_250 = memref.load %arg4[%swap3A_248, %swap3A_249] : memref<1x16xf32, #tpu.memory_space<smem>>
      memref.store %reduce_sum3A_247, %arg4[%swap3A_248, %swap3A_249] : memref<1x16xf32, #tpu.memory_space<smem>>
      %eq3A_251 = arith.constant 5 : i32
      %eq3A_252 = vector.broadcast %eq3A_251 : i32 to vector<1x16xi32>
      %eq3A_253 = arith.cmpi eq, %iota3A, %eq3A_252 : vector<1x16xi32>
      %jit3A_254 = arith.constant 0.000000e+00 : f32
      %broadcast_in_dim3A_255 = vector.broadcast %jit3A_254 : f32 to vector<1x16xf32>
      %select_n3A_256 = arith.select %eq3A_253, %mul3A_182, %broadcast_in_dim3A_255 : vector<1x16xi1>, vector<1x16xf32>
      %reduce_sum3A_257 = vector.shape_cast %select_n3A_256 : vector<1x16xf32> to vector<1x1x16xf32>
      %reduce_sum3A_258 = arith.constant dense<0.000000e+00> : vector<1xf32>
      %reduce_sum3A_259 = vector.multi_reduction <add>, %reduce_sum3A_257, %reduce_sum3A_258 [1, 2] : vector<1x1x16xf32> to vector<1xf32>
      %reduce_sum3A_260 = vector.shape_cast %reduce_sum3A_259 : vector<1xf32> to vector<1x1x1xf32>
      %reduce_sum3A_261 = vector.extract %reduce_sum3A_260[0, 0, 0] : f32 from vector<1x1x1xf32>
      %swap3A_262 = arith.constant 0 : index
      %swap3A_263 = arith.constant 5 : index
      %swap3A_264 = memref.load %arg4[%swap3A_262, %swap3A_263] : memref<1x16xf32, #tpu.memory_space<smem>>
      memref.store %reduce_sum3A_261, %arg4[%swap3A_262, %swap3A_263] : memref<1x16xf32, #tpu.memory_space<smem>>
      %eq3A_265 = arith.constant 6 : i32
      %eq3A_266 = vector.broadcast %eq3A_265 : i32 to vector<1x16xi32>
      %eq3A_267 = arith.cmpi eq, %iota3A, %eq3A_266 : vector<1x16xi32>
      %jit3A_268 = arith.constant 0.000000e+00 : f32
      %broadcast_in_dim3A_269 = vector.broadcast %jit3A_268 : f32 to vector<1x16xf32>
      %select_n3A_270 = arith.select %eq3A_267, %mul3A_182, %broadcast_in_dim3A_269 : vector<1x16xi1>, vector<1x16xf32>
      %reduce_sum3A_271 = vector.shape_cast %select_n3A_270 : vector<1x16xf32> to vector<1x1x16xf32>
      %reduce_sum3A_272 = arith.constant dense<0.000000e+00> : vector<1xf32>
      %reduce_sum3A_273 = vector.multi_reduction <add>, %reduce_sum3A_271, %reduce_sum3A_272 [1, 2] : vector<1x1x16xf32> to vector<1xf32>
      %reduce_sum3A_274 = vector.shape_cast %reduce_sum3A_273 : vector<1xf32> to vector<1x1x1xf32>
      %reduce_sum3A_275 = vector.extract %reduce_sum3A_274[0, 0, 0] : f32 from vector<1x1x1xf32>
      %swap3A_276 = arith.constant 0 : index
      %swap3A_277 = arith.constant 6 : index
      %swap3A_278 = memref.load %arg4[%swap3A_276, %swap3A_277] : memref<1x16xf32, #tpu.memory_space<smem>>
      memref.store %reduce_sum3A_275, %arg4[%swap3A_276, %swap3A_277] : memref<1x16xf32, #tpu.memory_space<smem>>
      %eq3A_279 = arith.constant 7 : i32
      %eq3A_280 = vector.broadcast %eq3A_279 : i32 to vector<1x16xi32>
      %eq3A_281 = arith.cmpi eq, %iota3A, %eq3A_280 : vector<1x16xi32>
      %jit3A_282 = arith.constant 0.000000e+00 : f32
      %broadcast_in_dim3A_283 = vector.broadcast %jit3A_282 : f32 to vector<1x16xf32>
      %select_n3A_284 = arith.select %eq3A_281, %mul3A_182, %broadcast_in_dim3A_283 : vector<1x16xi1>, vector<1x16xf32>
      %reduce_sum3A_285 = vector.shape_cast %select_n3A_284 : vector<1x16xf32> to vector<1x1x16xf32>
      %reduce_sum3A_286 = arith.constant dense<0.000000e+00> : vector<1xf32>
      %reduce_sum3A_287 = vector.multi_reduction <add>, %reduce_sum3A_285, %reduce_sum3A_286 [1, 2] : vector<1x1x16xf32> to vector<1xf32>
      %reduce_sum3A_288 = vector.shape_cast %reduce_sum3A_287 : vector<1xf32> to vector<1x1x1xf32>
      %reduce_sum3A_289 = vector.extract %reduce_sum3A_288[0, 0, 0] : f32 from vector<1x1x1xf32>
      %swap3A_290 = arith.constant 0 : index
      %swap3A_291 = arith.constant 7 : index
      %swap3A_292 = memref.load %arg4[%swap3A_290, %swap3A_291] : memref<1x16xf32, #tpu.memory_space<smem>>
      memref.store %reduce_sum3A_289, %arg4[%swap3A_290, %swap3A_291] : memref<1x16xf32, #tpu.memory_space<smem>>
      %eq3A_293 = arith.constant 8 : i32
      %eq3A_294 = vector.broadcast %eq3A_293 : i32 to vector<1x16xi32>
      %eq3A_295 = arith.cmpi eq, %iota3A, %eq3A_294 : vector<1x16xi32>
      %jit3A_296 = arith.constant 0.000000e+00 : f32
      %broadcast_in_dim3A_297 = vector.broadcast %jit3A_296 : f32 to vector<1x16xf32>
      %select_n3A_298 = arith.select %eq3A_295, %mul3A_182, %broadcast_in_dim3A_297 : vector<1x16xi1>, vector<1x16xf32>
      %reduce_sum3A_299 = vector.shape_cast %select_n3A_298 : vector<1x16xf32> to vector<1x1x16xf32>
      %reduce_sum3A_300 = arith.constant dense<0.000000e+00> : vector<1xf32>
      %reduce_sum3A_301 = vector.multi_reduction <add>, %reduce_sum3A_299, %reduce_sum3A_300 [1, 2] : vector<1x1x16xf32> to vector<1xf32>
      %reduce_sum3A_302 = vector.shape_cast %reduce_sum3A_301 : vector<1xf32> to vector<1x1x1xf32>
      %reduce_sum3A_303 = vector.extract %reduce_sum3A_302[0, 0, 0] : f32 from vector<1x1x1xf32>
      %swap3A_304 = arith.constant 0 : index
      %swap3A_305 = arith.constant 8 : index
      %swap3A_306 = memref.load %arg4[%swap3A_304, %swap3A_305] : memref<1x16xf32, #tpu.memory_space<smem>>
      memref.store %reduce_sum3A_303, %arg4[%swap3A_304, %swap3A_305] : memref<1x16xf32, #tpu.memory_space<smem>>
      %eq3A_307 = arith.constant 9 : i32
      %eq3A_308 = vector.broadcast %eq3A_307 : i32 to vector<1x16xi32>
      %eq3A_309 = arith.cmpi eq, %iota3A, %eq3A_308 : vector<1x16xi32>
      %jit3A_310 = arith.constant 0.000000e+00 : f32
      %broadcast_in_dim3A_311 = vector.broadcast %jit3A_310 : f32 to vector<1x16xf32>
      %select_n3A_312 = arith.select %eq3A_309, %mul3A_182, %broadcast_in_dim3A_311 : vector<1x16xi1>, vector<1x16xf32>
      %reduce_sum3A_313 = vector.shape_cast %select_n3A_312 : vector<1x16xf32> to vector<1x1x16xf32>
      %reduce_sum3A_314 = arith.constant dense<0.000000e+00> : vector<1xf32>
      %reduce_sum3A_315 = vector.multi_reduction <add>, %reduce_sum3A_313, %reduce_sum3A_314 [1, 2] : vector<1x1x16xf32> to vector<1xf32>
      %reduce_sum3A_316 = vector.shape_cast %reduce_sum3A_315 : vector<1xf32> to vector<1x1x1xf32>
      %reduce_sum3A_317 = vector.extract %reduce_sum3A_316[0, 0, 0] : f32 from vector<1x1x1xf32>
      %swap3A_318 = arith.constant 0 : index
      %swap3A_319 = arith.constant 9 : index
      %swap3A_320 = memref.load %arg4[%swap3A_318, %swap3A_319] : memref<1x16xf32, #tpu.memory_space<smem>>
      memref.store %reduce_sum3A_317, %arg4[%swap3A_318, %swap3A_319] : memref<1x16xf32, #tpu.memory_space<smem>>
      %eq3A_321 = arith.constant 10 : i32
      %eq3A_322 = vector.broadcast %eq3A_321 : i32 to vector<1x16xi32>
      %eq3A_323 = arith.cmpi eq, %iota3A, %eq3A_322 : vector<1x16xi32>
      %jit3A_324 = arith.constant 0.000000e+00 : f32
      %broadcast_in_dim3A_325 = vector.broadcast %jit3A_324 : f32 to vector<1x16xf32>
      %select_n3A_326 = arith.select %eq3A_323, %mul3A_182, %broadcast_in_dim3A_325 : vector<1x16xi1>, vector<1x16xf32>
      %reduce_sum3A_327 = vector.shape_cast %select_n3A_326 : vector<1x16xf32> to vector<1x1x16xf32>
      %reduce_sum3A_328 = arith.constant dense<0.000000e+00> : vector<1xf32>
      %reduce_sum3A_329 = vector.multi_reduction <add>, %reduce_sum3A_327, %reduce_sum3A_328 [1, 2] : vector<1x1x16xf32> to vector<1xf32>
      %reduce_sum3A_330 = vector.shape_cast %reduce_sum3A_329 : vector<1xf32> to vector<1x1x1xf32>
      %reduce_sum3A_331 = vector.extract %reduce_sum3A_330[0, 0, 0] : f32 from vector<1x1x1xf32>
      %swap3A_332 = arith.constant 0 : index
      %swap3A_333 = arith.constant 10 : index
      %swap3A_334 = memref.load %arg4[%swap3A_332, %swap3A_333] : memref<1x16xf32, #tpu.memory_space<smem>>
      memref.store %reduce_sum3A_331, %arg4[%swap3A_332, %swap3A_333] : memref<1x16xf32, #tpu.memory_space<smem>>
      %eq3A_335 = arith.constant 11 : i32
      %eq3A_336 = vector.broadcast %eq3A_335 : i32 to vector<1x16xi32>
      %eq3A_337 = arith.cmpi eq, %iota3A, %eq3A_336 : vector<1x16xi32>
      %jit3A_338 = arith.constant 0.000000e+00 : f32
      %broadcast_in_dim3A_339 = vector.broadcast %jit3A_338 : f32 to vector<1x16xf32>
      %select_n3A_340 = arith.select %eq3A_337, %mul3A_182, %broadcast_in_dim3A_339 : vector<1x16xi1>, vector<1x16xf32>
      %reduce_sum3A_341 = vector.shape_cast %select_n3A_340 : vector<1x16xf32> to vector<1x1x16xf32>
      %reduce_sum3A_342 = arith.constant dense<0.000000e+00> : vector<1xf32>
      %reduce_sum3A_343 = vector.multi_reduction <add>, %reduce_sum3A_341, %reduce_sum3A_342 [1, 2] : vector<1x1x16xf32> to vector<1xf32>
      %reduce_sum3A_344 = vector.shape_cast %reduce_sum3A_343 : vector<1xf32> to vector<1x1x1xf32>
      %reduce_sum3A_345 = vector.extract %reduce_sum3A_344[0, 0, 0] : f32 from vector<1x1x1xf32>
      %swap3A_346 = arith.constant 0 : index
      %swap3A_347 = arith.constant 11 : index
      %swap3A_348 = memref.load %arg4[%swap3A_346, %swap3A_347] : memref<1x16xf32, #tpu.memory_space<smem>>
      memref.store %reduce_sum3A_345, %arg4[%swap3A_346, %swap3A_347] : memref<1x16xf32, #tpu.memory_space<smem>>
      %eq3A_349 = arith.constant 12 : i32
      %eq3A_350 = vector.broadcast %eq3A_349 : i32 to vector<1x16xi32>
      %eq3A_351 = arith.cmpi eq, %iota3A, %eq3A_350 : vector<1x16xi32>
      %jit3A_352 = arith.constant 0.000000e+00 : f32
      %broadcast_in_dim3A_353 = vector.broadcast %jit3A_352 : f32 to vector<1x16xf32>
      %select_n3A_354 = arith.select %eq3A_351, %mul3A_182, %broadcast_in_dim3A_353 : vector<1x16xi1>, vector<1x16xf32>
      %reduce_sum3A_355 = vector.shape_cast %select_n3A_354 : vector<1x16xf32> to vector<1x1x16xf32>
      %reduce_sum3A_356 = arith.constant dense<0.000000e+00> : vector<1xf32>
      %reduce_sum3A_357 = vector.multi_reduction <add>, %reduce_sum3A_355, %reduce_sum3A_356 [1, 2] : vector<1x1x16xf32> to vector<1xf32>
      %reduce_sum3A_358 = vector.shape_cast %reduce_sum3A_357 : vector<1xf32> to vector<1x1x1xf32>
      %reduce_sum3A_359 = vector.extract %reduce_sum3A_358[0, 0, 0] : f32 from vector<1x1x1xf32>
      %swap3A_360 = arith.constant 0 : index
      %swap3A_361 = arith.constant 12 : index
      %swap3A_362 = memref.load %arg4[%swap3A_360, %swap3A_361] : memref<1x16xf32, #tpu.memory_space<smem>>
      memref.store %reduce_sum3A_359, %arg4[%swap3A_360, %swap3A_361] : memref<1x16xf32, #tpu.memory_space<smem>>
      %eq3A_363 = arith.constant 13 : i32
      %eq3A_364 = vector.broadcast %eq3A_363 : i32 to vector<1x16xi32>
      %eq3A_365 = arith.cmpi eq, %iota3A, %eq3A_364 : vector<1x16xi32>
      %jit3A_366 = arith.constant 0.000000e+00 : f32
      %broadcast_in_dim3A_367 = vector.broadcast %jit3A_366 : f32 to vector<1x16xf32>
      %select_n3A_368 = arith.select %eq3A_365, %mul3A_182, %broadcast_in_dim3A_367 : vector<1x16xi1>, vector<1x16xf32>
      %reduce_sum3A_369 = vector.shape_cast %select_n3A_368 : vector<1x16xf32> to vector<1x1x16xf32>
      %reduce_sum3A_370 = arith.constant dense<0.000000e+00> : vector<1xf32>
      %reduce_sum3A_371 = vector.multi_reduction <add>, %reduce_sum3A_369, %reduce_sum3A_370 [1, 2] : vector<1x1x16xf32> to vector<1xf32>
      %reduce_sum3A_372 = vector.shape_cast %reduce_sum3A_371 : vector<1xf32> to vector<1x1x1xf32>
      %reduce_sum3A_373 = vector.extract %reduce_sum3A_372[0, 0, 0] : f32 from vector<1x1x1xf32>
      %swap3A_374 = arith.constant 0 : index
      %swap3A_375 = arith.constant 13 : index
      %swap3A_376 = memref.load %arg4[%swap3A_374, %swap3A_375] : memref<1x16xf32, #tpu.memory_space<smem>>
      memref.store %reduce_sum3A_373, %arg4[%swap3A_374, %swap3A_375] : memref<1x16xf32, #tpu.memory_space<smem>>
      %eq3A_377 = arith.constant 14 : i32
      %eq3A_378 = vector.broadcast %eq3A_377 : i32 to vector<1x16xi32>
      %eq3A_379 = arith.cmpi eq, %iota3A, %eq3A_378 : vector<1x16xi32>
      %jit3A_380 = arith.constant 0.000000e+00 : f32
      %broadcast_in_dim3A_381 = vector.broadcast %jit3A_380 : f32 to vector<1x16xf32>
      %select_n3A_382 = arith.select %eq3A_379, %mul3A_182, %broadcast_in_dim3A_381 : vector<1x16xi1>, vector<1x16xf32>
      %reduce_sum3A_383 = vector.shape_cast %select_n3A_382 : vector<1x16xf32> to vector<1x1x16xf32>
      %reduce_sum3A_384 = arith.constant dense<0.000000e+00> : vector<1xf32>
      %reduce_sum3A_385 = vector.multi_reduction <add>, %reduce_sum3A_383, %reduce_sum3A_384 [1, 2] : vector<1x1x16xf32> to vector<1xf32>
      %reduce_sum3A_386 = vector.shape_cast %reduce_sum3A_385 : vector<1xf32> to vector<1x1x1xf32>
      %reduce_sum3A_387 = vector.extract %reduce_sum3A_386[0, 0, 0] : f32 from vector<1x1x1xf32>
      %swap3A_388 = arith.constant 0 : index
      %swap3A_389 = arith.constant 14 : index
      %swap3A_390 = memref.load %arg4[%swap3A_388, %swap3A_389] : memref<1x16xf32, #tpu.memory_space<smem>>
      memref.store %reduce_sum3A_387, %arg4[%swap3A_388, %swap3A_389] : memref<1x16xf32, #tpu.memory_space<smem>>
      %eq3A_391 = arith.constant 15 : i32
      %eq3A_392 = vector.broadcast %eq3A_391 : i32 to vector<1x16xi32>
      %eq3A_393 = arith.cmpi eq, %iota3A, %eq3A_392 : vector<1x16xi32>
      %jit3A_394 = arith.constant 0.000000e+00 : f32
      %broadcast_in_dim3A_395 = vector.broadcast %jit3A_394 : f32 to vector<1x16xf32>
      %select_n3A_396 = arith.select %eq3A_393, %mul3A_182, %broadcast_in_dim3A_395 : vector<1x16xi1>, vector<1x16xf32>
      %reduce_sum3A_397 = vector.shape_cast %select_n3A_396 : vector<1x16xf32> to vector<1x1x16xf32>
      %reduce_sum3A_398 = arith.constant dense<0.000000e+00> : vector<1xf32>
      %reduce_sum3A_399 = vector.multi_reduction <add>, %reduce_sum3A_397, %reduce_sum3A_398 [1, 2] : vector<1x1x16xf32> to vector<1xf32>
      %reduce_sum3A_400 = vector.shape_cast %reduce_sum3A_399 : vector<1xf32> to vector<1x1x1xf32>
      %reduce_sum3A_401 = vector.extract %reduce_sum3A_400[0, 0, 0] : f32 from vector<1x1x1xf32>
      %swap3A_402 = arith.constant 0 : index
      %swap3A_403 = arith.constant 15 : index
      %swap3A_404 = memref.load %arg4[%swap3A_402, %swap3A_403] : memref<1x16xf32, #tpu.memory_space<smem>>
      memref.store %reduce_sum3A_401, %arg4[%swap3A_402, %swap3A_403] : memref<1x16xf32, #tpu.memory_space<smem>>
    } else {
    }
    %get3A = arith.constant 0 : index
    %get3A_2 = arith.constant 0 : index
    %get3A_3 = memref.load %arg4[%get3A, %get3A_2] : memref<1x16xf32, #tpu.memory_space<smem>>
    %get3A_4 = arith.constant 0 : index
    %get3A_5 = arith.constant 0 : index
    %get3A_6 = arith.constant 0 : index
    %get3A_7 = vector.load %arg2[%get3A_4, %get3A_5, %get3A_6] : memref<16x64x512xf32, #tpu.memory_space<vmem>>, vector<1x64x512xf32>
    %get3A_8 = vector.shape_cast %get3A_7 : vector<1x64x512xf32> to vector<64x512xf32>
    %mul3A = vector.broadcast %get3A_3 : f32 to vector<64x512xf32>
    %mul3A_9 = arith.mulf %mul3A, %get3A_8 : vector<64x512xf32>
    %get3A_10 = arith.constant 0 : index
    %get3A_11 = arith.constant 1 : index
    %get3A_12 = memref.load %arg4[%get3A_10, %get3A_11] : memref<1x16xf32, #tpu.memory_space<smem>>
    %get3A_13 = arith.constant 1 : index
    %get3A_14 = arith.constant 0 : index
    %get3A_15 = arith.constant 0 : index
    %get3A_16 = vector.load %arg2[%get3A_13, %get3A_14, %get3A_15] : memref<16x64x512xf32, #tpu.memory_space<vmem>>, vector<1x64x512xf32>
    %get3A_17 = vector.shape_cast %get3A_16 : vector<1x64x512xf32> to vector<64x512xf32>
    %mul3A_18 = vector.broadcast %get3A_12 : f32 to vector<64x512xf32>
    %mul3A_19 = arith.mulf %mul3A_18, %get3A_17 : vector<64x512xf32>
    %add3A = arith.addf %mul3A_9, %mul3A_19 : vector<64x512xf32>
    %get3A_20 = arith.constant 0 : index
    %get3A_21 = arith.constant 2 : index
    %get3A_22 = memref.load %arg4[%get3A_20, %get3A_21] : memref<1x16xf32, #tpu.memory_space<smem>>
    %get3A_23 = arith.constant 2 : index
    %get3A_24 = arith.constant 0 : index
    %get3A_25 = arith.constant 0 : index
    %get3A_26 = vector.load %arg2[%get3A_23, %get3A_24, %get3A_25] : memref<16x64x512xf32, #tpu.memory_space<vmem>>, vector<1x64x512xf32>
    %get3A_27 = vector.shape_cast %get3A_26 : vector<1x64x512xf32> to vector<64x512xf32>
    %mul3A_28 = vector.broadcast %get3A_22 : f32 to vector<64x512xf32>
    %mul3A_29 = arith.mulf %mul3A_28, %get3A_27 : vector<64x512xf32>
    %add3A_30 = arith.addf %add3A, %mul3A_29 : vector<64x512xf32>
    %get3A_31 = arith.constant 0 : index
    %get3A_32 = arith.constant 3 : index
    %get3A_33 = memref.load %arg4[%get3A_31, %get3A_32] : memref<1x16xf32, #tpu.memory_space<smem>>
    %get3A_34 = arith.constant 3 : index
    %get3A_35 = arith.constant 0 : index
    %get3A_36 = arith.constant 0 : index
    %get3A_37 = vector.load %arg2[%get3A_34, %get3A_35, %get3A_36] : memref<16x64x512xf32, #tpu.memory_space<vmem>>, vector<1x64x512xf32>
    %get3A_38 = vector.shape_cast %get3A_37 : vector<1x64x512xf32> to vector<64x512xf32>
    %mul3A_39 = vector.broadcast %get3A_33 : f32 to vector<64x512xf32>
    %mul3A_40 = arith.mulf %mul3A_39, %get3A_38 : vector<64x512xf32>
    %add3A_41 = arith.addf %add3A_30, %mul3A_40 : vector<64x512xf32>
    %get3A_42 = arith.constant 0 : index
    %get3A_43 = arith.constant 4 : index
    %get3A_44 = memref.load %arg4[%get3A_42, %get3A_43] : memref<1x16xf32, #tpu.memory_space<smem>>
    %get3A_45 = arith.constant 4 : index
    %get3A_46 = arith.constant 0 : index
    %get3A_47 = arith.constant 0 : index
    %get3A_48 = vector.load %arg2[%get3A_45, %get3A_46, %get3A_47] : memref<16x64x512xf32, #tpu.memory_space<vmem>>, vector<1x64x512xf32>
    %get3A_49 = vector.shape_cast %get3A_48 : vector<1x64x512xf32> to vector<64x512xf32>
    %mul3A_50 = vector.broadcast %get3A_44 : f32 to vector<64x512xf32>
    %mul3A_51 = arith.mulf %mul3A_50, %get3A_49 : vector<64x512xf32>
    %add3A_52 = arith.addf %add3A_41, %mul3A_51 : vector<64x512xf32>
    %get3A_53 = arith.constant 0 : index
    %get3A_54 = arith.constant 5 : index
    %get3A_55 = memref.load %arg4[%get3A_53, %get3A_54] : memref<1x16xf32, #tpu.memory_space<smem>>
    %get3A_56 = arith.constant 5 : index
    %get3A_57 = arith.constant 0 : index
    %get3A_58 = arith.constant 0 : index
    %get3A_59 = vector.load %arg2[%get3A_56, %get3A_57, %get3A_58] : memref<16x64x512xf32, #tpu.memory_space<vmem>>, vector<1x64x512xf32>
    %get3A_60 = vector.shape_cast %get3A_59 : vector<1x64x512xf32> to vector<64x512xf32>
    %mul3A_61 = vector.broadcast %get3A_55 : f32 to vector<64x512xf32>
    %mul3A_62 = arith.mulf %mul3A_61, %get3A_60 : vector<64x512xf32>
    %add3A_63 = arith.addf %add3A_52, %mul3A_62 : vector<64x512xf32>
    %get3A_64 = arith.constant 0 : index
    %get3A_65 = arith.constant 6 : index
    %get3A_66 = memref.load %arg4[%get3A_64, %get3A_65] : memref<1x16xf32, #tpu.memory_space<smem>>
    %get3A_67 = arith.constant 6 : index
    %get3A_68 = arith.constant 0 : index
    %get3A_69 = arith.constant 0 : index
    %get3A_70 = vector.load %arg2[%get3A_67, %get3A_68, %get3A_69] : memref<16x64x512xf32, #tpu.memory_space<vmem>>, vector<1x64x512xf32>
    %get3A_71 = vector.shape_cast %get3A_70 : vector<1x64x512xf32> to vector<64x512xf32>
    %mul3A_72 = vector.broadcast %get3A_66 : f32 to vector<64x512xf32>
    %mul3A_73 = arith.mulf %mul3A_72, %get3A_71 : vector<64x512xf32>
    %add3A_74 = arith.addf %add3A_63, %mul3A_73 : vector<64x512xf32>
    %get3A_75 = arith.constant 0 : index
    %get3A_76 = arith.constant 7 : index
    %get3A_77 = memref.load %arg4[%get3A_75, %get3A_76] : memref<1x16xf32, #tpu.memory_space<smem>>
    %get3A_78 = arith.constant 7 : index
    %get3A_79 = arith.constant 0 : index
    %get3A_80 = arith.constant 0 : index
    %get3A_81 = vector.load %arg2[%get3A_78, %get3A_79, %get3A_80] : memref<16x64x512xf32, #tpu.memory_space<vmem>>, vector<1x64x512xf32>
    %get3A_82 = vector.shape_cast %get3A_81 : vector<1x64x512xf32> to vector<64x512xf32>
    %mul3A_83 = vector.broadcast %get3A_77 : f32 to vector<64x512xf32>
    %mul3A_84 = arith.mulf %mul3A_83, %get3A_82 : vector<64x512xf32>
    %add3A_85 = arith.addf %add3A_74, %mul3A_84 : vector<64x512xf32>
    %get3A_86 = arith.constant 0 : index
    %get3A_87 = arith.constant 8 : index
    %get3A_88 = memref.load %arg4[%get3A_86, %get3A_87] : memref<1x16xf32, #tpu.memory_space<smem>>
    %get3A_89 = arith.constant 8 : index
    %get3A_90 = arith.constant 0 : index
    %get3A_91 = arith.constant 0 : index
    %get3A_92 = vector.load %arg2[%get3A_89, %get3A_90, %get3A_91] : memref<16x64x512xf32, #tpu.memory_space<vmem>>, vector<1x64x512xf32>
    %get3A_93 = vector.shape_cast %get3A_92 : vector<1x64x512xf32> to vector<64x512xf32>
    %mul3A_94 = vector.broadcast %get3A_88 : f32 to vector<64x512xf32>
    %mul3A_95 = arith.mulf %mul3A_94, %get3A_93 : vector<64x512xf32>
    %add3A_96 = arith.addf %add3A_85, %mul3A_95 : vector<64x512xf32>
    %get3A_97 = arith.constant 0 : index
    %get3A_98 = arith.constant 9 : index
    %get3A_99 = memref.load %arg4[%get3A_97, %get3A_98] : memref<1x16xf32, #tpu.memory_space<smem>>
    %get3A_100 = arith.constant 9 : index
    %get3A_101 = arith.constant 0 : index
    %get3A_102 = arith.constant 0 : index
    %get3A_103 = vector.load %arg2[%get3A_100, %get3A_101, %get3A_102] : memref<16x64x512xf32, #tpu.memory_space<vmem>>, vector<1x64x512xf32>
    %get3A_104 = vector.shape_cast %get3A_103 : vector<1x64x512xf32> to vector<64x512xf32>
    %mul3A_105 = vector.broadcast %get3A_99 : f32 to vector<64x512xf32>
    %mul3A_106 = arith.mulf %mul3A_105, %get3A_104 : vector<64x512xf32>
    %add3A_107 = arith.addf %add3A_96, %mul3A_106 : vector<64x512xf32>
    %get3A_108 = arith.constant 0 : index
    %get3A_109 = arith.constant 10 : index
    %get3A_110 = memref.load %arg4[%get3A_108, %get3A_109] : memref<1x16xf32, #tpu.memory_space<smem>>
    %get3A_111 = arith.constant 10 : index
    %get3A_112 = arith.constant 0 : index
    %get3A_113 = arith.constant 0 : index
    %get3A_114 = vector.load %arg2[%get3A_111, %get3A_112, %get3A_113] : memref<16x64x512xf32, #tpu.memory_space<vmem>>, vector<1x64x512xf32>
    %get3A_115 = vector.shape_cast %get3A_114 : vector<1x64x512xf32> to vector<64x512xf32>
    %mul3A_116 = vector.broadcast %get3A_110 : f32 to vector<64x512xf32>
    %mul3A_117 = arith.mulf %mul3A_116, %get3A_115 : vector<64x512xf32>
    %add3A_118 = arith.addf %add3A_107, %mul3A_117 : vector<64x512xf32>
    %get3A_119 = arith.constant 0 : index
    %get3A_120 = arith.constant 11 : index
    %get3A_121 = memref.load %arg4[%get3A_119, %get3A_120] : memref<1x16xf32, #tpu.memory_space<smem>>
    %get3A_122 = arith.constant 11 : index
    %get3A_123 = arith.constant 0 : index
    %get3A_124 = arith.constant 0 : index
    %get3A_125 = vector.load %arg2[%get3A_122, %get3A_123, %get3A_124] : memref<16x64x512xf32, #tpu.memory_space<vmem>>, vector<1x64x512xf32>
    %get3A_126 = vector.shape_cast %get3A_125 : vector<1x64x512xf32> to vector<64x512xf32>
    %mul3A_127 = vector.broadcast %get3A_121 : f32 to vector<64x512xf32>
    %mul3A_128 = arith.mulf %mul3A_127, %get3A_126 : vector<64x512xf32>
    %add3A_129 = arith.addf %add3A_118, %mul3A_128 : vector<64x512xf32>
    %get3A_130 = arith.constant 0 : index
    %get3A_131 = arith.constant 12 : index
    %get3A_132 = memref.load %arg4[%get3A_130, %get3A_131] : memref<1x16xf32, #tpu.memory_space<smem>>
    %get3A_133 = arith.constant 12 : index
    %get3A_134 = arith.constant 0 : index
    %get3A_135 = arith.constant 0 : index
    %get3A_136 = vector.load %arg2[%get3A_133, %get3A_134, %get3A_135] : memref<16x64x512xf32, #tpu.memory_space<vmem>>, vector<1x64x512xf32>
    %get3A_137 = vector.shape_cast %get3A_136 : vector<1x64x512xf32> to vector<64x512xf32>
    %mul3A_138 = vector.broadcast %get3A_132 : f32 to vector<64x512xf32>
    %mul3A_139 = arith.mulf %mul3A_138, %get3A_137 : vector<64x512xf32>
    %add3A_140 = arith.addf %add3A_129, %mul3A_139 : vector<64x512xf32>
    %get3A_141 = arith.constant 0 : index
    %get3A_142 = arith.constant 13 : index
    %get3A_143 = memref.load %arg4[%get3A_141, %get3A_142] : memref<1x16xf32, #tpu.memory_space<smem>>
    %get3A_144 = arith.constant 13 : index
    %get3A_145 = arith.constant 0 : index
    %get3A_146 = arith.constant 0 : index
    %get3A_147 = vector.load %arg2[%get3A_144, %get3A_145, %get3A_146] : memref<16x64x512xf32, #tpu.memory_space<vmem>>, vector<1x64x512xf32>
    %get3A_148 = vector.shape_cast %get3A_147 : vector<1x64x512xf32> to vector<64x512xf32>
    %mul3A_149 = vector.broadcast %get3A_143 : f32 to vector<64x512xf32>
    %mul3A_150 = arith.mulf %mul3A_149, %get3A_148 : vector<64x512xf32>
    %add3A_151 = arith.addf %add3A_140, %mul3A_150 : vector<64x512xf32>
    %get3A_152 = arith.constant 0 : index
    %get3A_153 = arith.constant 14 : index
    %get3A_154 = memref.load %arg4[%get3A_152, %get3A_153] : memref<1x16xf32, #tpu.memory_space<smem>>
    %get3A_155 = arith.constant 14 : index
    %get3A_156 = arith.constant 0 : index
    %get3A_157 = arith.constant 0 : index
    %get3A_158 = vector.load %arg2[%get3A_155, %get3A_156, %get3A_157] : memref<16x64x512xf32, #tpu.memory_space<vmem>>, vector<1x64x512xf32>
    %get3A_159 = vector.shape_cast %get3A_158 : vector<1x64x512xf32> to vector<64x512xf32>
    %mul3A_160 = vector.broadcast %get3A_154 : f32 to vector<64x512xf32>
    %mul3A_161 = arith.mulf %mul3A_160, %get3A_159 : vector<64x512xf32>
    %add3A_162 = arith.addf %add3A_151, %mul3A_161 : vector<64x512xf32>
    %get3A_163 = arith.constant 0 : index
    %get3A_164 = arith.constant 15 : index
    %get3A_165 = memref.load %arg4[%get3A_163, %get3A_164] : memref<1x16xf32, #tpu.memory_space<smem>>
    %get3A_166 = arith.constant 15 : index
    %get3A_167 = arith.constant 0 : index
    %get3A_168 = arith.constant 0 : index
    %get3A_169 = vector.load %arg2[%get3A_166, %get3A_167, %get3A_168] : memref<16x64x512xf32, #tpu.memory_space<vmem>>, vector<1x64x512xf32>
    %get3A_170 = vector.shape_cast %get3A_169 : vector<1x64x512xf32> to vector<64x512xf32>
    %mul3A_171 = vector.broadcast %get3A_165 : f32 to vector<64x512xf32>
    %mul3A_172 = arith.mulf %mul3A_171, %get3A_170 : vector<64x512xf32>
    %add3A_173 = arith.addf %add3A_162, %mul3A_172 : vector<64x512xf32>
    %swap3A = arith.constant 0 : index
    %swap3A_174 = arith.constant 0 : index
    %swap3A_175 = vector.load %arg3[%swap3A, %swap3A_174] : memref<64x512xf32, #tpu.memory_space<vmem>>, vector<64x512xf32>
    tpu.vector_store %arg3[%swap3A, %swap3A_174], %add3A_173 {strides = array<i32>} : memref<64x512xf32, #tpu.memory_space<vmem>>, vector<64x512xf32>,
    return
  }
  func.func @transform_0(%arg0: i32) -> (i32, i32) {
    %c0_i32 = arith.constant 0 : i32
    %c0_i32_0 = arith.constant 0 : i32
    %c0_i32_1 = arith.constant 0 : i32
    return %c0_i32, %c0_i32_0 : i32, i32
  }
  func.func @transform_1(%arg0: i32) -> (i32, i32, i32) {
    %c0_i32 = arith.constant 0 : i32
    %c0_i32_0 = arith.constant 0 : i32
    %c0_i32_1 = arith.constant 0 : i32
    return %c0_i32, %c0_i32_0, %arg0 : i32, i32, i32
  }
  func.func @transform_2(%arg0: i32) -> (i32, i32) {
    %c0_i32 = arith.constant 0 : i32
    %c0_i32_0 = arith.constant 0 : i32
    return %c0_i32, %arg0 : i32, i32
  }
}

</mosaic_0001>

<sc_bundles>
// kernel: kernel.5.cloned.1.call-start
scs
__scs_entry_jumppad:
0x0: {  	(pc) =	sbr.rel $0x88, $3  }
0x1: {  	(tag) =	ssettag $0x0;
	lr =	simm.s32 $0x1  }
0x2: {  	[smem:$0x3F9A] =	sst lr;
	_ =	strace $0xD0000000  }
0x3: {  	_ = 	snop  }
0x4: {  	_ = 	snop  }
0x5: {  	_ = 	snop  }
0x6: {  	_ = 	snop  }
0x7: {  	_ = 	snop  }
__scs_overlays_trampoline_lowered:
0x8: {  	[smem:$0x3FA9] =	sst s0  }
0x9: {  	[smem:$0x3FAA] =	sst s1  }
0xa: {  	[smem:$0x3FAB] =	sst s2  }
0xb: {  	[smem:$0x3FAC] =	sst s3  }
0xc: {  	[smem:$0x3FAD] =	sst s4  }
0xd: {  	[smem:$0x3FAE] =	sst s5  }
0xe: {  	[smem:$0x3FAF] =	sst s6  }
0xf: {  	[smem:$0x3FB0] =	sst s7  }
0x10: {  	[smem:$0x3FB1] =	sst s8  }
0x11: {  	[smem:$0x3FB2] =	sst s9;
	s0 =	simm.s32 @!p0 $0x0  }
0x12: {  	s1 =	sld [smem:$0x3F98];
	s0 =	simm.s32 @p0 $0x1  }
0x13: {  	[smem:$0x3FB3] =	sst s0;
	s0 =	simm.s32 @!p1 $0x0  }
0x14: {  	s2 =	sld [smem:$0x3F97];
	s0 =	simm.s32 @p1 $0x1  }
0x15: {  	[smem:$0x3FB4] =	sst s0;
	s0 =	simm.s32 @!p2 $0x0  }
0x16: {  	s3 =	sld [smem:$0x3FDB];
	s0 =	simm.s32 @p2 $0x1  }
0x17: {  	s4 =	simm.s32 $0x1BF5;
	[smem:$0x3FB6] =	sst s0  }
0x18: {  	s0 =	sld [smem:$0x3F99];
	_ =	swait.ge [sflag:s4], $0x0  }
0x19: {  	s7 =	sld [smem:$0x3F9A]  }
0x1a: {  	s8 =	sadd.s32 $0xFFFFE003, lr  }
0x1b: {  	s9 =	sadd.s32 $0xFFFFFEF7, lr;
	s5 =	simm.s32 $0xFFFFFFFF;
	p2 =	slt.u32 s8, $0xFFFFF086  }
0x1c: {  	p1 =	slt.u32 s9, $0xF7A;
	s5 =	simm.s32 @!p2 $0x0  }
0x1d: {  	s5 =	simm.s32 @p1 $0x1;
	p0 =	seq.s32 s7, s2  }
0x1e: {  	s7 =	smul.u32 @!p0 $0xF7A, s2;
	p2 =	seq.s32 @!p0 s5, $0x0  }
0x1f: {  	s9 =	smul.u32 $0xF7A, s1;
	s8 =	simm.s32 @!p0 $0x1BF5;
	p2 =	por !p2, p0  }
0x20: {  	[sflag:s8] =	ssyncset.s32 @!p0 $0xFFFFF086;
	s6 =	sadd.s32 @!p0 s3, s7;
	s7 =	simm.s32 @!p0 $0x108  }
0x21: {  	s3 =	sadd.s32 s3, s9;
	s6 =	sadd.s32 @!p0 $0x88, s6;
	s7 =	simm.s32 @p2 $0x1082  }
0x22: {  	[simem:s7], [sflag:s8] =	dma.local @!p0 [hbm:s6], $0xF7A  }
0x23: {  	s9 =	sor.u32 $0xD0000000, s2;
	s6 =	simm.s32 $0x108;
	_ =	swait.ge @!p0 [sflag:s8], $0x0  }
0x24: {  	s3 =	sadd.s32 $0x88, s3;
	s6 =	simm.s32 @!p1 $0x1082;
	[sflag:s4] =	ssyncset.s32 $0xFFFFF086  }
0x25: {  	[simem:s6], [sflag:s4] =	dma.local [hbm:s3], $0xF7A  }
0x26: {  	[smem:$0x3F9A] =	sst s1;
	(tag) =	ssettag s2;
	_ =	strace s9  }
0x27: {  	s1 =	sld [smem:$0x3FAA]  }
0x28: {  	s2 =	sld [smem:$0x3FAB]  }
0x29: {  	s4 =	sld [smem:$0x3FAD]  }
0x2a: {  	p0 =	seq.s32 s5, $0x0;
	s5 =	sld [smem:$0x3FAE]  }
0x2b: {  	s6 =	sld [smem:$0x3FAF]  }
0x2c: {  	s7 =	sld [smem:$0x3FB0]  }
0x2d: {  	s3 =	simm.s32 $0x108;
	s8 =	sld [smem:$0x3FB1]  }
0x2e: {  	s3 =	simm.s32 @!p0 $0x1082;
	s9 =	sld [smem:$0x3FB2]  }
0x2f: {  	lr =	sadd.s32 s0, s3;
	s0 =	sld [smem:$0x3FA9]  }
0x30: {  	s3 =	sld [smem:$0x3FAC]  }
0x31: {  	[smem:$0x3FB5] =	sst s10  }
0x32: {  	s10 =	sld [smem:$0x3FB3];
	_ =	sdelay $0x3  }
0x33: {  	p0 =	seq.s32 s10, $0x1;
	s10 =	sld [smem:$0x3FB5];
	_ =	sdelay $0x3  }
0x34: {  	[smem:$0x3FB5] =	sst s10  }
0x35: {  	s10 =	sld [smem:$0x3FB4];
	_ =	sdelay $0x3  }
0x36: {  	p1 =	seq.s32 s10, $0x1;
	s10 =	sld [smem:$0x3FB5];
	_ =	sdelay $0x3  }
0x37: {  	[smem:$0x3FB5] =	sst s10  }
0x38: {  	s10 =	sld [smem:$0x3FB6]  }
0x39: {  	_ = 	snop;
	(pc) =	sbr.ind lr, $3  }
0x3a: {  	_ = 	snop  }
0x3b: {  	_ = 	snop  }
0x3c: {  	p2 =	seq.s32 s10, $0x1;
	s10 =	sld [smem:$0x3FB5]  }
0x3d: {  	_ =	shalt  }
0x3e: {  	_ =	shalt  }
0x3f: {  	_ =	shalt  }
0x40: {  	_ =	shalt  }
0x41: {  	_ =	shalt  }
0x42: {  	_ =	shalt  }
0x43: {  	_ =	shalt  }
0x44: {  	_ =	shalt  }
0x45: {  	_ =	shalt  }
0x46: {  	_ =	shalt  }
0x47: {  	_ =	shalt  }
0x48: {  	_ =	shalt  }
0x49: {  	_ =	shalt  }
0x4a: {  	_ =	shalt  }
0x4b: {  	_ =	shalt  }
0x4c: {  	_ =	shalt  }
0x4d: {  	_ =	shalt  }
0x4e: {  	_ =	shalt  }
0x4f: {  	_ =	shalt  }
0x50: {  	_ =	shalt  }
0x51: {  	_ =	shalt  }
0x52: {  	_ =	shalt  }
0x53: {  	_ =	shalt  }
0x54: {  	_ =	shalt  }
0x55: {  	_ =	shalt  }
0x56: {  	_ =	shalt  }
0x57: {  	_ =	shalt  }
0x58: {  	_ =	shalt  }
0x59: {  	_ =	shalt  }
0x5a: {  	_ =	shalt  }
0x5b: {  	_ =	shalt  }
0x5c: {  	_ =	shalt  }
0x5d: {  	_ =	shalt  }
0x5e: {  	_ =	shalt  }
0x5f: {  	_ =	shalt  }
0x60: {  	_ =	shalt  }
0x61: {  	_ =	shalt  }
0x62: {  	_ =	shalt  }
0x63: {  	_ =	shalt  }
0x64: {  	_ =	shalt  }
0x65: {  	_ =	shalt  }
0x66: {  	_ =	shalt  }
0x67: {  	_ =	shalt  }
0x68: {  	_ =	shalt  }
0x69: {  	_ =	shalt  }
0x6a: {  	_ =	shalt  }
0x6b: {  	_ =	shalt  }
0x6c: {  	_ =	shalt  }
0x6d: {  	_ =	shalt  }
0x6e: {  	_ =	shalt  }
0x6f: {  	_ =	shalt  }
0x70: {  	_ =	shalt  }
0x71: {  	_ =	shalt  }
0x72: {  	_ =	shalt  }
0x73: {  	_ =	shalt  }
0x74: {  	_ =	shalt  }
0x75: {  	_ =	shalt  }
0x76: {  	_ =	shalt  }
0x77: {  	_ =	shalt  }
0x78: {  	_ =	shalt  }
0x79: {  	_ =	shalt  }
0x7a: {  	_ =	shalt  }
0x7b: {  	_ =	shalt  }
0x7c: {  	_ =	shalt  }
0x7d: {  	_ =	shalt  }
0x7e: {  	_ =	shalt  }
0x7f: {  	_ =	shalt  }
0x80: {  	_ =	shalt  }
0x81: {  	_ =	shalt  }
0x82: {  	_ =	shalt  }
0x83: {  	_ =	shalt  }
0x84: {  	_ =	shalt  }
0x85: {  	_ =	shalt  }
0x86: {  	_ =	shalt  }
0x87: {  	_ =	shalt  }
.Lfunc_end0:
.L_simem_size_0:
called_computation_lowered:
.L_overlay_start_0:
0x88: {  	s2 =	sld [smem:$0x3FD9]  }
0x89: {  	s3 =	sld [smem:$0x3FFE];
	_ =	sdelay $0x1  }
0x8a: {  	s1 =	srdreg.scid  }
0x8b: {  	s0 =	sand.u32 $0x1, s1  }
0x8c: {  	s14 =	sshll.u32 s0, $0xA;
	s2 =	sadd.s32 s3, s2  }
0x8d: {  	s2 =	sadd.s32 s2, s14  }
0x8e: {  	[smem:$0x3FC1] =	sst s2  }
0x8f: {  	_ = 	snop  }
0x90: {  	s2 =	sld [smem:$0x3FD0];
	_ =	sdelay $0x2  }
0x91: {  	s15 =	simm.s32 $0xA;
	s4 =	simm.s32 $0x10  }
0x92: {  	[smem:s4], [sflag:s15] =	dma.local [hbm:s2], $0x1  }
0x93: {  	_ =	swait.eq [sflag:s15], $0x1  }
0x94: {  	[sflag:s15] =	ssyncset.done $0x0  }
0x95: {  	[sflag:s15] =	ssyncadd.s32 $0xFFFFFFFF  }
0x96: {  	s16 =	sld [smem:$0x10];
	(tm) =	ssettm $0x1  }
0x97: {  	s17 =	sld [smem:$0x3FFB];
	_ =	sdelay $0x3  }
0x98: {  	_ =	strace s17  }
0x99: {  	s3 =	sld [smem:$0x3FFC];
	_ =	sdelay $0x3  }
0x9a: {  	_ =	strace s3  }
0x9b: {  	s3 =	sld [smem:$0x3FFD];
	_ =	sdelay $0x3  }
0x9c: {  	_ =	strace s3  }
0x9d: {  	_ =	strace $0x8FFFFFFF  }
0x9e: {  	s18 =	sld [smem:$0x3FDB];
	_ =	sdelay $0x1  }
0x9f: {  	s19 =	simm.s32 $_scs_section_size  }
0xa0: {  	s5 =	simm.s32 $_size__tile_overlayer_lowered;
	s6 =	simm.s32 $_tile_overlayer_lowered  }
0xa1: {  	s22 =	simm.s32 $0x1BFF;
	s21 =	sshll.u32 s6, $0x1;
	s3 =	sadd.s32 s19, s18  }
0xa2: {  	s7 =	simm.s32 $0x0;
	s20 =	sshll.u32 s5, $0x1;
	s5 =	sadd.s32 s21, s3  }
0xa3: {  	[timem:s7], [sflag:s22] =	dma.local [hbm:s5], s20  }
0xa4: {  	_ =	swait.ge [sflag:s22], s20  }
0xa5: {  	s4 =	ssub.s32 $0x0, s20;
	[sflag:s22] =	ssyncset.done $0x0  }
0xa6: {  	[sflag:s22] =	ssyncadd.s32 s4;
	_ =	sdelay $0x1  }
0xa7: {  	s23 =	simm.s32 $0x1B8B  }
0xa8: {  	_ =	swait.ge [sflag:s23], $0x1  }
0xa9: {  	[sflag:s23] =	ssyncset.done $0x0  }
0xaa: {  	s25 =	simm.s32 $0x1B8E;
	s24 =	sld [smem:$0x3FFE];
	[sflag:s23] =	ssyncadd.s32 $0xFFFFFFFF  }
0xab: {  	s26 =	simm.s32 $execute0_lowered;
	[smem:$0x3FD2] =	sst s25  }
0xac: {  	s5 =	sshll.u32 s26, $0x1;
	_ =	strace $0x80000046;
	[dreg:$0x1] =	wrdreg $0xFFFFFFFF  }
0xad: {  	s28 =	simm.s32 $_size_execute0_lowered;
	s3 =	sadd.s32 s3, s5;
	[dreg:$0x0] =	wrdreg $0x0  }
0xae: {  	s5 =	sshll.u32 s28, $0x1;
	[dreg:$0x2] =	wrdreg s3  }
0xaf: {  	[dreg:$0x3] =	wrdreg s5  }
0xb0: {  	[dreg:$0x4] =	wrdreg $0xC0  }
0xb1: {  	_ =	task [dreg:s7], $0x5FFFF  }
0xb2: {  	[dreg:$0x1] =	wrdreg $0xFFFFFFFF  }
0xb3: {  	[dreg:$0x0] =	wrdreg $0x60  }
0xb4: {  	[dreg:$0x2] =	wrdreg s16  }
0xb5: {  	[dreg:$0x3] =	wrdreg s24  }
0xb6: {  	[dreg:$0x4] =	wrdreg $0x9  }
0xb7: {  	_ =	task.clear_ibuf [dreg:s7], $0x5FFFF;
	_ =	strace $0x90000046  }
0xb8: {  	s29 =	simm.s32 $0x9;
	_ =	strace $0x80000048  }
0xb9: {  	_ =	swait.ge [sflag:s29], $0x1  }
0xba: {  	[sflag:s29] =	ssyncadd.s32 $0xFFFFFFFF  }
0xbb: {  	_ =	strace $0x90000048  }
0xbc: {  	_ =	sfence  }
0xbd: {  	s30 =	sld [smem:$0x0];
	_ =	sdelay $0x2  }
0xbe: {  	s31 =	sshll.u32 s1, $0xD;
	s1 =	sshrl.u32 s1, $0x2  }
0xbf: {  	s3 =	sand.u32 $0x4000, s31;
	s1 =	sadd.s32 s1, s30  }
0xc0: {  	s0 =	sor.u32 s3, s0;
	s1 =	sshll.u32 s1, $0x11  }
0xc1: {  	s0 =	sor.u32 s1, s0  }
0xc2: {  	s0 =	sadd.s32 $0x8F2B, s0  }
0xc3: {  	[sflag:s0] =	ssyncadd.remote.s32 $0x1  }
0xc4: {  	_ =	sfence.sel $0xFFFF  }
0xc5: {  	[dreg:$0x0] =	wrdreg $0xFFFFFFFF;
	(pc) =	sbr.abs _section_cstart, $3  }
0xc6: {  	[dreg:$0x1] =	wrdreg $0xFFFFFFFF  }
0xc7: {  	_ =	task.clear_ibuf [dreg:s7], $0x2FFFF;
	_ =	strace $0x9FFFFFFF  }
0xc8: {  	(tm) =	ssettm $0x7FFFFFFF  }
0xc9: {  	_ =	shalt  }
tec
execute0_lowered:
.L_overlay_start_1:
0x0: {  	(tag) =	ssettag $0x1  }
0x1: {  	s3 =	rddreg [dreg:$0x0]  }
0x2: {  	s5 =	rddreg [dreg:$0x1];
	s2 =	srdreg.scid  }
0x3: {  	s0 =	rddreg [dreg:$0x2];
	s1 =	stileid.u32;
	s6 =	sand.u32 $0x1, s2  }
0x4: {  	s2 =	simm.s32 $0x0;
	s4 =	sshll.u32 s1, $0x5;
	s7 =	sshll.u32 s6, $0x4  }
0x5: {  	[smem:$0x7FF] =	sst s2;
	s7 =	sor.u32 s7, s4  }
0x6: {  	_ =	strace $0x80000047;
	s4 =	sadd.s32 s3, s7;
	s3 =	simm.s32 $0x1  }
0x7: {  	[tilespmem:s2], [sflag:$0x1] =	stream.linear.gather [hbm4b:s4+s2], $0x80, $0x38;
	[tilespmem:$0x100] =	vst v63  }
0x8: {  	_ =	swait.ge [sflag:s3], $0x80  }
0x9: {  	[sflag:s3] =	ssyncset.done $0x0  }
0xa: {  	[sflag:s3] =	ssyncadd.s32 $0xFFFFFF80  }
0xb: {  	v2 =	vld [tilespmem:$0x0];
	_ =	sdelay $0x4  }
0xc: {  	(xrf0) =	vmax.scan.msk.f32 $0xffff, v2;
	_ =	sdelay $0x5  }
0xd: {  	v3, _, _ =	vpop (xrf0)  }
0xe: {  	v4 =	vbroadcast v3, $0xF  }
0xf: {  	v0 =	vlaneseq.u32  }
0x10: {  	v1 =	vor.u32 $0x80000000, v0;
	vm0 =	veq.f32 v2, v4  }
0x11: {  	v4 =	vnsel vm0, $0x80000010, v1  }
0x12: {  	(xrf0) =	vmin.scan.msk.u32 $0xffff, v4;
	_ =	sdelay $0x5  }
0x13: {  	v4, _, _ =	vpop (xrf0)  }
0x14: {  	(v2sf) =	vpush v4, $0xF;
	_ =	sdelay $0xe  }
0x15: {  	s8 =	spop (v2sf)  }
0x16: {  	s8 =	sxor.u32 $0x80000000, s8  }
0x17: {  	v61 =	vmov s8  }
0x18: {  	vm14 =	veq.s32 v61, v0  }
0x19: {  	v2 =	vsel vm14, $0xF149F2CA, v2  }
0x1a: {  	(xrf0) =	vmax.scan.msk.f32 $0xffff, v2;
	_ =	sdelay $0x5  }
0x1b: {  	(v2sf) =	vpush v3, $0xF;
	v3, _, _ =	vpop (xrf0)  }
0x1c: {  	(v2sf) =	vpush v3, $0xF;
	_ =	sdelay $0xd  }
0x1d: {  	s28 =	spop (v2sf)  }
0x1e: {  	s9 =	spop (v2sf)  }
0x1f: {  	s8 =	ssub.f32 s9, s28  }
0x20: {  	v3 =	vbroadcast v3, $0xF  }
0x21: {  	v62 =	vmov s8  }
0x22: {  	vm1 =	veq.f32 v2, v3;
	v2 =	vmul.f32 $1.442695020e+00, v62  }
0x23: {  	v3 =	vnsel vm1, $0x80000010, v1  }
0x24: {  	(xrf0) =	vmin.scan.msk.u32 $0xffff, v3;
	v2 =	vbroadcast v2, $0x0;
	_ =	sdelay $0x1  }
0x25: {  	(erf) = vpow2.f32 v2;
	_ =	sdelay $0x3  }
0x26: {  	v2, _, _ =	vpop (xrf0)  }
0x27: {  	(v2sf) =	vpush v2, $0xF;
	_ =	sdelay $0x3  }
0x28: {  	v2 =	vpop (erf)  }
0x29: {  	v2 =	vadd.f32 $1.000000000e+00, v2;
	_ =	sdelay $0x1  }
0x2a: {  	(erf) = vrcp.f32 v2;
	_ =	sdelay $0x7  }
0x2b: {  	s29 =	spop (v2sf)  }
0x2c: {  	s6 =	ssub.s32 $0x2, s6;
	s8 =	sxor.u32 $0x80000000, s29;
	v2 =	vpop (erf)  }
0x2d: {  	s30 =	sshrl.u32 s6, $0x1;
	v3 =	vmov s8;
	v63 =	vsub.f32 $1.000000000e+00, v2  }
0x2e: {  	s6 =	ssub.s32 s6, s30;
	vm15 =	veq.s32 v3, v0  }
0x2f: {  	s31 =	smax.u32 s6, $0x1;
	v2 =	vnsel vm14, $0x0, v2;
	v3 =	vnsel vm15, $0x0, v63  }
0x30: {  	p0 =	sne.s32 s31, $0x1;
	v2 =	vadd.f32 v3, v2  }
.Ltmp0:
0x31: {  	s5 =	sadd.s32 s7, s5;
	(pc) =	sbr.rel @!p0 .LBB2_2-.Ltmp0, $4  }
0x32: {  	s5 =	sadd.s32 $0x1200, s5;
	s6 =	simm.s32 $0x80;
	[tilespmem:$0x80] =	vst v2  }
0x33: {  	[hbm4b:s5+s2] =	stream.linear.scatter [tilespmem:s6], [sflag:$0x1], $0x80, $0x38;
	[tilespmem:$0x100] =	vst v63  }
0x34: {  	_ =	swait.ge [sflag:s3], $0x80  }
0x35: {  	s7 =	sadd.s32 $0xFFFFFFFF, s31;
	[sflag:s3] =	ssyncset.done $0x0  }
.LBB2_1:
0x36: {  	p0 =	sne.s32 s7, $0x1;
	s7 =	sadd.s32 $0xFFFFFFFF, s7;
	[sflag:s3] =	ssyncadd.s32 $0xFFFFFF80  }
0x37: {  	[tilespmem:s2], [sflag:$0x1] =	stream.linear.gather [hbm4b:s4+s2], $0x80, $0x38;
	[tilespmem:$0x100] =	vst v63  }
0x38: {  	_ =	swait.ge [sflag:s3], $0x80  }
0x39: {  	[sflag:s3] =	ssyncset.done $0x0  }
0x3a: {  	[sflag:s3] =	ssyncadd.s32 $0xFFFFFF80  }
0x3b: {  	v2 =	vld [tilespmem:$0x0];
	_ =	sdelay $0x4  }
0x3c: {  	(xrf0) =	vmax.scan.msk.f32 $0xffff, v2;
	_ =	sdelay $0x5  }
0x3d: {  	v3, _, _ =	vpop (xrf0)  }
0x3e: {  	v4 =	vbroadcast v3, $0xF;
	_ =	sdelay $0x1  }
0x3f: {  	vm0 =	veq.f32 v2, v4  }
0x40: {  	v4 =	vnsel vm0, $0x80000010, v1  }
0x41: {  	(xrf0) =	vmin.scan.msk.u32 $0xffff, v4;
	_ =	sdelay $0x5  }
0x42: {  	v4, _, _ =	vpop (xrf0)  }
0x43: {  	(v2sf) =	vpush v4, $0xF;
	_ =	sdelay $0xe  }
0x44: {  	s8 =	spop (v2sf)  }
0x45: {  	s8 =	sxor.u32 $0x80000000, s8  }
0x46: {  	v4 =	vmov s8  }
0x47: {  	vm0 =	veq.s32 v4, v0  }
0x48: {  	v2 =	vsel vm0, $0xF149F2CA, v2  }
0x49: {  	(xrf0) =	vmax.scan.msk.f32 $0xffff, v2;
	_ =	sdelay $0x5  }
0x4a: {  	(v2sf) =	vpush v3, $0xF;
	v3, _, _ =	vpop (xrf0)  }
0x4b: {  	v4 =	vbroadcast v3, $0xF;
	(v2sf) =	vpush v3, $0xF;
	_ =	sdelay $0x1  }
0x4c: {  	vm1 =	veq.f32 v2, v4  }
0x4d: {  	v2 =	vnsel vm1, $0x80000010, v1  }
0x4e: {  	(xrf0) =	vmin.scan.msk.u32 $0xffff, v2;
	_ =	sdelay $0x5  }
0x4f: {  	v2, _, _ =	vpop (xrf0)  }
0x50: {  	(v2sf) =	vpush v2, $0xF;
	_ =	sdelay $0x2  }
0x51: {  	s8 =	spop (v2sf)  }
0x52: {  	s9 =	spop (v2sf)  }
0x53: {  	s8 =	ssub.f32 s9, s8;
	_ =	sdelay $0x1  }
0x54: {  	v2 =	vmov s8  }
0x55: {  	v2 =	vmul.f32 $1.442695020e+00, v2;
	_ =	sdelay $0x1  }
0x56: {  	v2 =	vbroadcast v2, $0x0;
	_ =	sdelay $0x1  }
0x57: {  	(erf) = vpow2.f32 v2;
	_ =	sdelay $0x2  }
0x58: {  	s8 =	spop (v2sf)  }
0x59: {  	s8 =	sxor.u32 $0x80000000, s8  }
0x5a: {  	v2 =	vmov s8;
	_ =	sdelay $0x3  }
0x5b: {  	v3 =	vpop (erf)  }
0x5c: {  	v3 =	vadd.f32 $1.000000000e+00, v3;
	_ =	sdelay $0x1  }
0x5d: {  	(erf) = vrcp.f32 v3;
	_ =	sdelay $0x8  }
0x5e: {  	v3 =	vpop (erf)  }
0x5f: {  	v4 =	vsub.f32 $1.000000000e+00, v3;
	v3 =	vnsel vm0, $0x0, v3  }
0x60: {  	vm0 =	veq.s32 v2, v0  }
0x61: {  	v2 =	vnsel vm0, $0x0, v4  }
0x62: {  	v2 =	vadd.f32 v2, v3  }
.Ltmp1:
0x63: {  	(pc) =	sbr.rel @p0 .LBB2_1-.Ltmp1, $4  }
0x64: {  	[tilespmem:$0x80] =	vst v2  }
0x65: {  	[hbm4b:s5+s2] =	stream.linear.scatter [tilespmem:s6], [sflag:$0x1], $0x80, $0x38;
	[tilespmem:$0x100] =	vst v63  }
0x66: {  	_ =	swait.ge [sflag:s3], $0x80  }
0x67: {  	[sflag:s3] =	ssyncset.done $0x0  }
.LBB2_2:
0x68: {  	[sflag:s3] =	ssyncadd.s32 $0xFFFFFF80  }
0x69: {  	_ =	sfence.sel $0x180000  }
0x6a: {  	[bflag:$0x0] =	sbarrier.arrive $0xFFFF  }
0x6b: {  	p0 =	sne.s32 s1, $0x0;
	_ =	strace $0x90000047  }
0x6c: {  	s0 =	sadd.s32 @!p0 $0x100000, s0;
	[bflag:$0x2] =	sbarrier.arrive $0xFFFF  }
0x6d: {  	[sflag:s0] =	ssyncadd.tile.s32 @!p0 $0x1;
	_ =	shalt  }
.Lfunc_end2:
_tile_overlayer_lowered:
.L_overlay_start_2:
0x6e: {  	(tag) =	ssettag $0x2  }
0x6f: {  	s0 =	rddreg [dreg:$0x0];
	s2 =	stileid.u32  }
0x70: {  	s1 =	rddreg [dreg:$0x1];
	p0 =	sne.s32 s2, $0x0  }
0x71: {  	s3 =	rddreg [dreg:$0x2];
	[bflag:$0x3] =	sbarrier.arrive $0xFFFF;
	s2 =	simm.s32 @!p0 $0x1C01  }
0x72: {  	[timem:s3], [sflag:s2] =	dma.local @!p0 [hbm:s0], s1  }
0x73: {  	s0 =	simm.s32 @!p0 $0x1  }
0x74: {  	_ =	swait.ge @!p0 [sflag:s0], s1  }
0x75: {  	s1 =	ssub.s32 @!p0 $0x0, s1;
	[sflag:s0] =	ssyncset.done @!p0 $0x0  }
0x76: {  	[sflag:s0] =	ssyncadd.s32 @!p0 s1  }
0x77: {  	[bflag:$0x3] =	sbarrier.arrive $0xFFFF  }
0x78: {  	_ =	shalt  }

</sc_bundles>
